<compile_context>
chip_gen: v7x
topology: tpu7x:2x2x1
jax: 0.10.2.dev20260603
libtpu: 0.0.44.dev20260713+nightly
codegen_flags: <defaults>
</compile_context>

<pallas_src>
import functools
import math

import jax
import jax.numpy as jnp
from jax import lax
from jax.experimental import pallas as pl
from jax.experimental.pallas import tpu as pltpu
from jax.experimental.pallas import tpu_sc as plsc

NPROJ = 8
BLK = 128
SAMP = 128
NBINS = 2 ** NPROJ


LCH = 2048


def _hash_rank_body(q_ref, k_ref, projp_ref, rq_ref, sq_ref, sk_ref,
                    bins_scr, prior_scr, hist_scr, tabl_scr, fwd_scr):
    S = q_ref.shape[1]
    C = S // BLK
    CL = S // LCH
    off = pl.program_id(0) * S

    lane = lax.broadcasted_iota(jnp.int32, (1, BLK), 1)
    pow2 = jnp.where(lane < NPROJ, lax.shift_left(1, jnp.minimum(lane, NPROJ - 1)), 0)
    maskrow = pow2.astype(jnp.float32)
    ltri = (lax.broadcasted_iota(jnp.int32, (LCH, LCH), 0)
            < lax.broadcasted_iota(jnp.int32, (LCH, LCH), 1)).astype(jnp.bfloat16)
    bins_icol = lax.broadcasted_iota(jnp.int32, (NBINS, 1), 0)
    mstart2 = (lax.broadcasted_iota(jnp.int32, (NBINS, NBINS), 0)
               < lax.broadcasted_iota(jnp.int32, (NBINS, NBINS), 1)).astype(jnp.float32)
    projp = projp_ref[...]

    iota_c = lax.broadcasted_iota(jnp.int32, (C, 1), 0)
    iota_lcol = lax.broadcasted_iota(jnp.int32, (BLK, 1), 0)
    iota_row = lax.broadcasted_iota(jnp.int32, (1, LCH), 1)
    onesr = jnp.ones((1, LCH), jnp.float32)

    def one(x_ref, rank_ref, sidx_ref):
        def loop_a(c, _):
            xc = x_ref[0, pl.ds(c * LCH, LCH), :]
            proj = jnp.dot(xc, projp, preferred_element_type=jnp.float32)
            bits = (proj > 0).astype(jnp.float32)
            bint = lax.dot_general(maskrow, bits, (((1,), (1,)), ((), ())),
                                   preferred_element_type=jnp.float32)
            b = bint.astype(jnp.int32)
            h = jnp.bitwise_xor(b, lax.shift_right_logical(b, 1))
            bins_scr[pl.ds(c, 1), :] = h
            oh = (bins_icol == h).astype(jnp.float32)
            inner = lax.dot_general(oh.astype(jnp.bfloat16), ltri,
                                    (((1,), (0,)), ((), ())),
                                    preferred_element_type=jnp.float32)
            within = jnp.sum(oh * inner, axis=0, keepdims=True)
            prior_scr[pl.ds(c, 1), :] = within
            hist_scr[pl.ds(c, 1), :] = lax.dot_general(
                onesr, oh, (((1,), (1,)), ((), ())),
                preferred_element_type=jnp.float32)
            return 0

        lax.fori_loop(0, CL, loop_a, 0)

        run = jnp.zeros((1, NBINS), jnp.float32)
        for c in range(CL):
            tabl_scr[pl.ds(c, 1), :] = run
            run = run + hist_scr[pl.ds(c, 1), :]
        ti = run.astype(jnp.int32)
        thi = lax.shift_right_logical(ti, 8).astype(jnp.float32)
        tlo = jnp.bitwise_and(ti, 255).astype(jnp.float32)
        bstart = (256.0 * lax.dot_general(thi, mstart2, (((1,), (0,)), ((), ())),
                                          preferred_element_type=jnp.float32)
                  + lax.dot_general(tlo, mstart2, (((1,), (0,)), ((), ())),
                                    preferred_element_type=jnp.float32))

        fwd_scr[:, :] = jnp.zeros((C, BLK), jnp.float32)

        def loop_b(c, _):
            h = bins_scr[pl.ds(c, 1), :]
            oh = (bins_icol == h).astype(jnp.float32)
            tab = (bstart + tabl_scr[pl.ds(c, 1), :]).astype(jnp.int32)
            tabhi = lax.shift_right_logical(tab, 8).astype(jnp.float32)
            tablo = jnp.bitwise_and(tab, 255).astype(jnp.float32)
            prev = (256.0 * lax.dot_general(tabhi, oh, (((1,), (0,)), ((), ())),
                                            preferred_element_type=jnp.float32)
                    + lax.dot_general(tablo, oh, (((1,), (0,)), ((), ())),
                                      preferred_element_type=jnp.float32))
            local = (prev + prior_scr[pl.ds(c, 1), :]).astype(jnp.int32)
            if rank_ref is not None:
                rank_ref[0, :, pl.ds(c * LCH, LCH)] = local + off
            hi = lax.shift_right_logical(local, 7)
            lo = jnp.bitwise_and(local, BLK - 1)
            oh_hi = (iota_c == hi).astype(jnp.float32)
            oh_lot = (iota_lcol == lo).astype(jnp.float32)
            jrow = jnp.bitwise_and(iota_row, BLK - 1).astype(jnp.float32)
            ccrow = (lax.shift_right_logical(iota_row, 7)
                     + c * (LCH // BLK)).astype(jnp.float32)
            jpart = lax.dot_general(oh_hi * jrow, oh_lot, (((1,), (1,)), ((), ())),
                                    preferred_element_type=jnp.float32)
            cpart = lax.dot_general(oh_hi * ccrow, oh_lot, (((1,), (1,)), ((), ())),
                                    preferred_element_type=jnp.float32)
            fwd_scr[:, :] = fwd_scr[:, :] + jpart + 128.0 * cpart
            return 0

        lax.fori_loop(0, CL, loop_b, 0)
        sidx_ref[0, :, :] = fwd_scr[:, :].astype(jnp.int32) + off

    one(q_ref, rq_ref, sq_ref)
    one(k_ref, None, sk_ref)


def _rank_call(q3, k3, projp):
    BH, S, D = q3.shape
    C = S // BLK
    CL = S // LCH
    return pl.pallas_call(
        _hash_rank_body,
        grid=(BH,),
        in_specs=[
            pl.BlockSpec((1, S, D), lambda b: (b, 0, 0)),
            pl.BlockSpec((1, S, D), lambda b: (b, 0, 0)),
            pl.BlockSpec((D, BLK), lambda b: (0, 0)),
        ],
        out_specs=[
            pl.BlockSpec((1, 1, S), lambda b: (b, 0, 0)),
            pl.BlockSpec((1, C, BLK), lambda b: (b, 0, 0)),
            pl.BlockSpec((1, C, BLK), lambda b: (b, 0, 0)),
        ],
        out_shape=[jax.ShapeDtypeStruct((BH, 1, S), jnp.int32),
                   jax.ShapeDtypeStruct((BH, C, BLK), jnp.int32),
                   jax.ShapeDtypeStruct((BH, C, BLK), jnp.int32)],
        scratch_shapes=[pltpu.VMEM((CL, LCH), jnp.int32),
                        pltpu.VMEM((CL, LCH), jnp.float32),
                        pltpu.VMEM((CL, NBINS), jnp.float32),
                        pltpu.VMEM((CL, NBINS), jnp.float32),
                        pltpu.VMEM((C, BLK), jnp.float32)],
    )(q3, k3, projp)


def _attn_body(qs_ref, ks_ref, vs_ref, ksub_ref, vsub_ref, sdiv_ref, out_ref,
               *, scale, logw, d):
    i = pl.program_id(1)
    q = qs_ref[0][:, :d]
    k = ks_ref[0][:, :d]
    v = vs_ref[0][:, :d]
    s1 = lax.dot_general(q, k, (((1,), (1,)), ((), ())),
                         preferred_element_type=jnp.float32) * scale
    m1 = jnp.max(s1, axis=1, keepdims=True)
    p1 = jnp.exp(s1 - m1)
    l1 = jnp.sum(p1, axis=1, keepdims=True)
    a1 = jnp.dot(p1, v, preferred_element_type=jnp.float32)
    lse1 = m1 + jnp.log(l1)

    ksub = ksub_ref[0][:, :d]
    vsub = vsub_ref[0][:, :d]
    s2 = lax.dot_general(q, ksub, (((1,), (1,)), ((), ())),
                         preferred_element_type=jnp.float32) * scale
    coll = sdiv_ref[0] == i
    s2 = s2 + jnp.where(coll, jnp.finfo(jnp.float32).min, 0.0)
    m2 = jnp.max(s2, axis=1, keepdims=True)
    p2 = jnp.exp(s2 - m2)
    l2 = jnp.sum(p2, axis=1, keepdims=True)
    a2 = jnp.dot(p2, vsub, preferred_element_type=jnp.float32)
    lse2 = m2 + jnp.log(l2) + logw

    dlt = lse2 - lse1
    c1 = 1.0 / (1.0 + jnp.exp(dlt))
    c2 = 1.0 / (1.0 + jnp.exp(-dlt))
    res = c1 * (a1 / l1) + c2 * (a2 / l2)
    out_ref[0] = jnp.concatenate(
        [res, jnp.zeros((BLK, BLK - d), jnp.float32)], axis=1)


def _attn_call(qs, ks, vs, ksub, vsub, sdiv, d):
    BH, S, _ = qs.shape
    C = S // BLK
    body = functools.partial(_attn_body, scale=d ** (-0.5),
                             logw=math.log(S / SAMP), d=d)
    return pl.pallas_call(
        body,
        grid=(BH, C),
        in_specs=[
            pl.BlockSpec((1, BLK, BLK), lambda b, i: (b, i, 0)),
            pl.BlockSpec((1, BLK, BLK), lambda b, i: (b, i, 0)),
            pl.BlockSpec((1, BLK, BLK), lambda b, i: (b, i, 0)),
            pl.BlockSpec((1, SAMP, BLK), lambda b, i: (b, 0, 0)),
            pl.BlockSpec((1, SAMP, BLK), lambda b, i: (b, 0, 0)),
            pl.BlockSpec((1, 1, SAMP), lambda b, i: (b, 0, 0)),
        ],
        out_specs=pl.BlockSpec((1, BLK, BLK), lambda b, i: (b, i, 0)),
        out_shape=jax.ShapeDtypeStruct((BH, S, BLK), jnp.float32),
    )(qs, ks, vs, ksub, vsub, sdiv)


def _pad_body(x_ref, o_ref):
    x = x_ref[0]
    o_ref[0] = jnp.concatenate(
        [x, jnp.zeros((x.shape[0], BLK - x.shape[1]), jnp.float32)], axis=1)


def _pad_call(q3, k3, v3):
    BH, S, D = q3.shape
    spec = pl.BlockSpec((1, 512, D), lambda b, i: (b, i, 0))
    ospec = pl.BlockSpec((1, 512, BLK), lambda b, i: (b, i, 0))
    f = pl.pallas_call(
        _pad_body,
        grid=(BH, S // 512),
        in_specs=[spec],
        out_specs=ospec,
        out_shape=jax.ShapeDtypeStruct((BH, S, BLK), jnp.float32),
    )
    return f(q3), f(k3), f(v3)


def _sc_sort_call(qf, kf, vf, sq, sk, samp_flat):
    BHS, D = qf.shape
    BH = sq.shape[0]
    S = BHS // BH
    C = S // BLK
    mesh = plsc.VectorSubcoreMesh(core_axis_name="c", subcore_axis_name="s")

    @functools.partial(
        pl.kernel, mesh=mesh,
        out_type=[jax.ShapeDtypeStruct((BHS, D), jnp.float32)] * 3
        + [jax.ShapeDtypeStruct((BH * SAMP, D), jnp.float32)] * 2,
        scratch_types=[
            pltpu.VMEM((C, BLK), jnp.int32),
            pltpu.VMEM((BLK, D), jnp.float32),
            pltpu.VMEM((SAMP,), jnp.int32),
            pltpu.SemaphoreType.DMA,
        ],
    )
    def k2(q_hbm, k_hbm, v_hbm, sq_hbm, sk_hbm, samp_hbm,
           qs_out, ks_out, vs_out, ksub_out, vsub_out,
           perm_v, buf, sidx_v, sem):
        wid = lax.axis_index("s") * 2 + lax.axis_index("c")

        def do_array(src_hbm, dst_hbm):
            def chunk(c, _):
                pltpu.async_copy(src_hbm.at[perm_v.at[c]], buf, sem).wait()
                pltpu.sync_copy(buf, dst_hbm.at[pl.ds(wid * S + c * BLK, BLK)])
                return 0
            lax.fori_loop(0, C, chunk, 0)

        pltpu.sync_copy(sq_hbm.at[wid], perm_v)
        do_array(q_hbm, qs_out)
        pltpu.sync_copy(sk_hbm.at[wid], perm_v)
        do_array(k_hbm, ks_out)
        do_array(v_hbm, vs_out)

        pltpu.sync_copy(samp_hbm.at[wid], sidx_v)
        pltpu.async_copy(ks_out.at[sidx_v], buf, sem).wait()
        pltpu.sync_copy(buf, ksub_out.at[pl.ds(wid * SAMP, SAMP)])
        pltpu.async_copy(vs_out.at[sidx_v], buf, sem).wait()
        pltpu.sync_copy(buf, vsub_out.at[pl.ds(wid * SAMP, SAMP)])

    return k2(qf, kf, vf, sq, sk, samp_flat)


def _sc_unsort_call(attns, rq):
    BHS, D = attns.shape
    BH = rq.shape[0]
    S = BHS // BH
    C = S // BLK
    mesh = plsc.VectorSubcoreMesh(core_axis_name="c", subcore_axis_name="s")

    @functools.partial(
        pl.kernel, mesh=mesh,
        out_type=jax.ShapeDtypeStruct((BHS, D), jnp.float32),
        scratch_types=[
            pltpu.VMEM((S,), jnp.int32),
            pltpu.VMEM((BLK, D), jnp.float32),
            pltpu.SemaphoreType.DMA,
        ],
    )
    def k4(attns_hbm, rq_hbm, out_hbm, idx_v, buf, sem):
        wid = lax.axis_index("s") * 2 + lax.axis_index("c")
        pltpu.sync_copy(rq_hbm.at[wid, 0], idx_v)

        def chunk(c, _):
            pltpu.async_copy(
                attns_hbm.at[idx_v.at[pl.ds(c * BLK, BLK)]], buf, sem).wait()
            pltpu.sync_copy(buf, out_hbm.at[pl.ds(wid * S + c * BLK, BLK)])
            return 0

        lax.fori_loop(0, C, chunk, 0)

    return k4(attns, rq)


def kernel(query, key, value, proj_dir):
    B, H, S, D = query.shape
    BH = B * H
    q3 = query.reshape(BH, S, D)
    k3 = key.reshape(BH, S, D)
    v3 = value.reshape(BH, S, D)
    projp = jnp.pad(proj_dir, ((0, 0), (0, BLK - NPROJ)))

    rq, sq, sk = _rank_call(q3, k3, projp)

    sampled = jax.random.randint(jax.random.key(42), (B, H, SAMP), 0, S)
    samp_flat = (sampled.reshape(BH, SAMP)
                 + jnp.arange(BH, dtype=jnp.int32)[:, None] * S)
    sdiv = (sampled // BLK).reshape(BH, 1, SAMP)

    qp, kp, vp = _pad_call(q3, k3, v3)
    qs, ks, vs, ksub, vsub = _sc_sort_call(
        qp.reshape(BH * S, BLK), kp.reshape(BH * S, BLK),
        vp.reshape(BH * S, BLK), sq, sk, samp_flat)

    attn_s = _attn_call(qs.reshape(BH, S, BLK), ks.reshape(BH, S, BLK),
                        vs.reshape(BH, S, BLK), ksub.reshape(BH, SAMP, BLK),
                        vsub.reshape(BH, SAMP, BLK), sdiv, D)

    out = _sc_unsort_call(attn_s.reshape(BH * S, BLK), rq)
    return out[:, :D].reshape(B, H, S, D)

# --- scband reference (transcript-rebuilt; emitter-appended) ---
"""Pipeline reference for scband-hyper-attention-85633057947785 (READ-ONLY COPY).

The authoritative reference and input builder live on the scoring server;
editing this copy changes nothing except your own understanding.
"""

import jax, jax.numpy as jnp
import numpy as np
import math

LSH_NUM_PROJS = 8
BLOCK_SIZE = 128
SAMPLE_SIZE = 128


def _unit_hamming_distance_array(size_n):
    a = np.array([0, 1], dtype=np.int32)
    for _ in range(size_n - 1):
        a = np.concatenate([a, np.flip(a) + a.shape[0]])
    return a

_PERM = jnp.asarray(_unit_hamming_distance_array(LSH_NUM_PROJS))


def lsh_hash(x, proj_dir):
    # x: [B, H, S, D]; proj_dir: [D, P]. Angular LSH with gray-code bucket ordering.
    mask = 2 ** jnp.arange(LSH_NUM_PROJS, dtype=jnp.int32)
    projected = jnp.einsum('bhsd,dp->bhsp', x, proj_dir)
    bin_ids = jnp.sum((projected > 0).astype(jnp.int32) * mask, axis=-1)
    return _PERM[bin_ids]


def indexing(x, idx):
    # x: [B, H, S, D]; idx: [B, H, M] -> [B, H, M, D]
    return jnp.take_along_axis(x, idx[..., None], axis=2)


def exact_attention(q, k, v, scale, bias=None):
    s = jnp.einsum('...qd,...kd->...qk', q, k) * scale
    if bias is not None:
        s = s + bias
    lse = jax.nn.logsumexp(s, axis=-1, keepdims=True)
    p = jnp.exp(s - lse)
    attn = jnp.einsum('...qk,...kd->...qd', p, v)
    return attn, lse


def add_self_attentions(attn1, lse1, attn2, lse2):
    c = 1.0 / (1.0 + jnp.exp(lse2 - lse1))
    attn = c * attn1 + (1.0 - c) * attn2
    lse = lse1 - jnp.log(c)
    return attn, lse


def _hyper_attention(query, key, value, proj_dir):
    B, H, S, D = query.shape
    scale = D ** (-0.5)
    # 1) sortLSH: hash q/k, sort tokens by bucket id (stable)
    q_hash = lsh_hash(query, proj_dir)
    k_hash = lsh_hash(key, proj_dir)
    query_sort_idx = jnp.argsort(q_hash, axis=2)
    key_sort_idx = jnp.argsort(k_hash, axis=2)
    query_sort_idx_inv = jnp.argsort(query_sort_idx, axis=2)
    query_sorted = indexing(query, query_sort_idx)
    key_sorted = indexing(key, key_sort_idx)
    value_sorted = indexing(value, key_sort_idx)
    # 2) block-diagonal attention in sorted order
    kbs = BLOCK_SIZE
    num_blocks = S // kbs
    qbs = S // num_blocks
    q_blk = query_sorted.reshape(B, H, num_blocks, qbs, D)
    k_blk = key_sorted.reshape(B, H, num_blocks, kbs, D)
    v_blk = value_sorted.reshape(B, H, num_blocks, kbs, D)
    attn_blk, lse_blk = exact_attention(q_blk, k_blk, v_blk, scale)
    attn = attn_blk.reshape(B, H, S, D)
    lse = lse_blk.reshape(B, H, S, 1)
    # 3) residual low-rank part via uniform column sampling (mask out block-diagonal collisions)
    sampled_set = jax.random.randint(jax.random.key(42), (B, H, SAMPLE_SIZE), 0, S)
    weights = S / SAMPLE_SIZE
    key_subset = indexing(key_sorted, sampled_set)
    value_subset = indexing(value_sorted, sampled_set)
    offset_n = jnp.arange(S).reshape(1, 1, S, 1)
    block_mask = (offset_n // qbs) == (sampled_set[:, :, None, :] // kbs)
    bias = jnp.where(block_mask, jnp.finfo(query.dtype).min, jnp.array(0.0, query.dtype))
    attn_res, lse_res = exact_attention(query_sorted, key_subset, value_subset, scale, bias=bias)
    lse_res = lse_res + math.log(weights)
    # 4) combine the two attention estimates and restore original query order
    attn, lse = add_self_attentions(attn, lse, attn_res, lse_res)
    attn = indexing(attn, query_sort_idx_inv)
    lse = indexing(lse, query_sort_idx_inv)
    return attn, lse


def setup_inputs(seed: int = 0) -> dict:
    key = jax.random.key(seed)
    k1, k2, k3, k4 = jax.random.split(key, 4)
    B, H, S, D = 2, 16, 8192, 64
    return {
        'query': jax.random.normal(k1, (B, H, S, D), dtype=jnp.float32),
        'key': jax.random.normal(k2, (B, H, S, D), dtype=jnp.float32),
        'value': jax.random.normal(k3, (B, H, S, D), dtype=jnp.float32),
        'proj_dir': jax.random.normal(k4, (D, LSH_NUM_PROJS), dtype=jnp.float32),
    }


def reference(query, key, value, proj_dir):
    attn, lse = _hyper_attention(query, key, value, proj_dir)
    return attn

if __name__ == "__main__":
    import jax
    _d = setup_inputs()
    print(jax.jit(kernel)(*tuple(_d.values())))

</pallas_src>

<mosaic_0001>
#map = affine_map<(d0, d1) -> (0, 0)>
#map1 = affine_map<(d0, d1) -> (0, 0, 0)>
module attributes {stable_mosaic.version = 14 : i64} {
  func.func @k4(%arg0: i32, %arg1: i32, %arg2: memref<262144x128xf32, #tpu.memory_space<hbm>>, %arg3: memref<32x1x8192xi32, #tpu.memory_space<hbm>>, %arg4: memref<262144x128xf32, #tpu.memory_space<hbm>>, %arg5: memref<8192xi32, #tpu.memory_space<vmem>>, %arg6: memref<128x128xf32, #tpu.memory_space<vmem>>, %arg7: memref<!tpu.dma_semaphore, #tpu.memory_space<semaphore_mem>>) attributes {dimension_semantics = [#tpu.dimension_semantics<core_parallel>, #tpu.dimension_semantics<subcore_parallel>], iteration_bounds = array<i64: 2, 16>, scalar_prefetch = 0 : i64, scratch_operands = 3 : i64, tpu.core_type = #tpu.core_type<sc_vector_subcore>, window_params = [{transform_indices = #map}, {transform_indices = #map1}, {transform_indices = #map}]} {
    %mul3A = arith.constant 2 : i32
    %mul3A_0 = arith.muli %arg1, %mul3A : i32
    %add3A = arith.addi %mul3A_0, %arg0 : i32
    %run_scoped3A = arith.constant 0 : i32
    "tpu.region"() ({
      %run_scoped3A_7 = tpu.sem_alloc : memref<!tpu.dma_semaphore, #tpu.memory_space<semaphore_mem>>
      %dma_start3A = arith.constant 0 : i32
      %dma_start3A_8 = tpu.memref_slice %arg3[%add3A, %run_scoped3A, %dma_start3A] : memref<32x1x8192xi32, #tpu.memory_space<hbm>> -> memref<1x1x8192xi32, #tpu.memory_space<hbm>>
      %dma_start3A_9 = tpu.memref_squeeze %dma_start3A_8 : memref<1x1x8192xi32, #tpu.memory_space<hbm>> -> memref<8192xi32, #tpu.memory_space<hbm>>
      %dma_start3A_10 = arith.constant 0 : i32
      %dma_start3A_11 = tpu.memref_slice %arg3[%add3A, %run_scoped3A, %dma_start3A_10] : memref<32x1x8192xi32, #tpu.memory_space<hbm>> -> memref<1x1x8192xi32, #tpu.memory_space<hbm>>
      %dma_start3A_12 = tpu.memref_squeeze %dma_start3A_11 : memref<1x1x8192xi32, #tpu.memory_space<hbm>> -> memref<8192xi32, #tpu.memory_space<hbm>>
      tpu.enqueue_dma source(%dma_start3A_12 : memref<8192xi32, #tpu.memory_space<hbm>>) target(%arg5 : memref<8192xi32, #tpu.memory_space<vmem>>) target_semaphore(%run_scoped3A_7 : memref<!tpu.dma_semaphore, #tpu.memory_space<semaphore_mem>>)
      %dma_wait3A = arith.constant 0 : i32
      %dma_wait3A_13 = tpu.memref_slice %arg3[%add3A, %run_scoped3A, %dma_wait3A] : memref<32x1x8192xi32, #tpu.memory_space<hbm>> -> memref<1x1x8192xi32, #tpu.memory_space<hbm>>
      %dma_wait3A_14 = tpu.memref_squeeze %dma_wait3A_13 : memref<1x1x8192xi32, #tpu.memory_space<hbm>> -> memref<8192xi32, #tpu.memory_space<hbm>>
      %dma_wait3A_15 = arith.constant 0 : i32
      %dma_wait3A_16 = tpu.memref_slice %arg3[%add3A, %run_scoped3A, %dma_wait3A_15] : memref<32x1x8192xi32, #tpu.memory_space<hbm>> -> memref<1x1x8192xi32, #tpu.memory_space<hbm>>
      %dma_wait3A_17 = tpu.memref_squeeze %dma_wait3A_16 : memref<1x1x8192xi32, #tpu.memory_space<hbm>> -> memref<8192xi32, #tpu.memory_space<hbm>>
      tpu.wait_dma2 semaphore(%run_scoped3A_7 : memref<!tpu.dma_semaphore, #tpu.memory_space<semaphore_mem>>) src(%dma_wait3A_17 : memref<8192xi32, #tpu.memory_space<hbm>>) dst(%arg5 : memref<8192xi32, #tpu.memory_space<vmem>>)
      tpu.yield
    }) : () -> ()
    %scan3A = arith.constant 0 : i32
    %scan3A_1 = arith.constant 0 : i32
    %scan3A_2 = arith.constant 64 : i32
    %scan3A_3 = arith.addi %scan3A_1, %scan3A_2 : i32
    %scan3A_4 = arith.constant 1 : i32
    %scan3A_5 = scf.for %scan3A_7 = %scan3A_1 to %scan3A_3 step %scan3A_4 iter_args(%scan3A_8 = %scan3A) -> (i32)  : i32 {
      %mul3A_9 = arith.constant 128 : i32
      %mul3A_10 = arith.muli %scan3A_7, %mul3A_9 : i32
      %dma_start3A = tpu.memref_slice %arg5[%mul3A_10] : memref<8192xi32, #tpu.memory_space<vmem>> -> memref<128xi32, #tpu.memory_space<vmem>>
      %dma_start3A_11 = arith.constant 0 : i32
      %dma_start3A_12 = arith.constant 0 : i32
      %dma_start3A_13 = tpu.memref_slice %arg2[%dma_start3A_11, %dma_start3A_12] : memref<262144x128xf32, #tpu.memory_space<hbm>> -> memref<262144x128xf32, #tpu.memory_space<hbm>>
      tpu.enqueue_indirect_dma source(%dma_start3A_13 : memref<262144x128xf32, #tpu.memory_space<hbm>>) target(%arg6 : memref<128x128xf32, #tpu.memory_space<vmem>>) offsets(%dma_start3A : memref<128xi32, #tpu.memory_space<vmem>>) semaphore(%arg7 : memref<!tpu.dma_semaphore, #tpu.memory_space<semaphore_mem>>)
      %dma_wait3A = tpu.memref_slice %arg5[%mul3A_10] : memref<8192xi32, #tpu.memory_space<vmem>> -> memref<128xi32, #tpu.memory_space<vmem>>
      %dma_wait3A_14 = arith.constant 0 : i32
      %dma_wait3A_15 = arith.constant 0 : i32
      %dma_wait3A_16 = tpu.memref_slice %arg2[%dma_wait3A_14, %dma_wait3A_15] : memref<262144x128xf32, #tpu.memory_space<hbm>> -> memref<262144x128xf32, #tpu.memory_space<hbm>>
      tpu.wait_indirect_dma semaphore(%arg7 : memref<!tpu.dma_semaphore, #tpu.memory_space<semaphore_mem>>) src(%dma_wait3A_16 : memref<262144x128xf32, #tpu.memory_space<hbm>>) dst(%arg6 : memref<128x128xf32, #tpu.memory_space<vmem>>)
      %mul3A_17 = arith.constant 8192 : i32
      %mul3A_18 = arith.muli %add3A, %mul3A_17 : i32
      %mul3A_19 = arith.constant 128 : i32
      %mul3A_20 = arith.muli %scan3A_7, %mul3A_19 : i32
      %add3A_21 = arith.addi %mul3A_18, %mul3A_20 : i32
      "tpu.region"() ({
        %run_scoped3A_23 = tpu.sem_alloc : memref<!tpu.dma_semaphore, #tpu.memory_space<semaphore_mem>>
        %dma_start3A_24 = arith.constant 0 : i32
        %dma_start3A_25 = tpu.memref_slice %arg4[%add3A_21, %dma_start3A_24] : memref<262144x128xf32, #tpu.memory_space<hbm>> -> memref<128x128xf32, #tpu.memory_space<hbm>>
        %dma_start3A_26 = arith.constant 0 : i32
        %dma_start3A_27 = tpu.memref_slice %arg4[%add3A_21, %dma_start3A_26] : memref<262144x128xf32, #tpu.memory_space<hbm>> -> memref<128x128xf32, #tpu.memory_space<hbm>>
        tpu.enqueue_dma source(%arg6 : memref<128x128xf32, #tpu.memory_space<vmem>>) target(%dma_start3A_27 : memref<128x128xf32, #tpu.memory_space<hbm>>) target_semaphore(%run_scoped3A_23 : memref<!tpu.dma_semaphore, #tpu.memory_space<semaphore_mem>>)
        %dma_wait3A_28 = arith.constant 0 : i32
        %dma_wait3A_29 = tpu.memref_slice %arg4[%add3A_21, %dma_wait3A_28] : memref<262144x128xf32, #tpu.memory_space<hbm>> -> memref<128x128xf32, #tpu.memory_space<hbm>>
        %dma_wait3A_30 = arith.constant 0 : i32
        %dma_wait3A_31 = tpu.memref_slice %arg4[%add3A_21, %dma_wait3A_30] : memref<262144x128xf32, #tpu.memory_space<hbm>> -> memref<128x128xf32, #tpu.memory_space<hbm>>
        tpu.wait_dma2 semaphore(%run_scoped3A_23 : memref<!tpu.dma_semaphore, #tpu.memory_space<semaphore_mem>>) src(%arg6 : memref<128x128xf32, #tpu.memory_space<vmem>>) dst(%dma_wait3A_31 : memref<128x128xf32, #tpu.memory_space<hbm>>)
        tpu.yield
      }) : () -> ()
      %scan3A_22 = arith.constant 0 : i32
      scf.yield %scan3A_22 : i32
    }
    %scan3A_6 = arith.constant 64 : i32
    return
  }
}

#map = affine_map<(d0, d1) -> (0, 0)>
#map1 = affine_map<(d0, d1) -> (0, 0, 0)>
module attributes {stable_mosaic.version = 14 : i64} {
  func.func @k2(%arg0: i32, %arg1: i32, %arg2: memref<262144x128xf32, #tpu.memory_space<hbm>>, %arg3: memref<262144x128xf32, #tpu.memory_space<hbm>>, %arg4: memref<262144x128xf32, #tpu.memory_space<hbm>>, %arg5: memref<32x64x128xi32, #tpu.memory_space<hbm>>, %arg6: memref<32x64x128xi32, #tpu.memory_space<hbm>>, %arg7: memref<32x128xi32, #tpu.memory_space<hbm>>, %arg8: memref<262144x128xf32, #tpu.memory_space<hbm>>, %arg9: memref<262144x128xf32, #tpu.memory_space<hbm>>, %arg10: memref<262144x128xf32, #tpu.memory_space<hbm>>, %arg11: memref<4096x128xf32, #tpu.memory_space<hbm>>, %arg12: memref<4096x128xf32, #tpu.memory_space<hbm>>, %arg13: memref<64x128xi32, #tpu.memory_space<vmem>>, %arg14: memref<128x128xf32, #tpu.memory_space<vmem>>, %arg15: memref<128xi32, #tpu.memory_space<vmem>>, %arg16: memref<!tpu.dma_semaphore, #tpu.memory_space<semaphore_mem>>) attributes {dimension_semantics = [#tpu.dimension_semantics<core_parallel>, #tpu.dimension_semantics<subcore_parallel>], iteration_bounds = array<i64: 2, 16>, scalar_prefetch = 0 : i64, scratch_operands = 4 : i64, tpu.core_type = #tpu.core_type<sc_vector_subcore>, window_params = [{transform_indices = #map}, {transform_indices = #map}, {transform_indices = #map}, {transform_indices = #map1}, {transform_indices = #map1}, {transform_indices = #map}, {transform_indices = #map}, {transform_indices = #map}, {transform_indices = #map}, {transform_indices = #map}, {transform_indices = #map}]} {
    %mul3A = arith.constant 2 : i32
    %mul3A_0 = arith.muli %arg1, %mul3A : i32
    %add3A = arith.addi %mul3A_0, %arg0 : i32
    "tpu.region"() ({
      %run_scoped3A = tpu.sem_alloc : memref<!tpu.dma_semaphore, #tpu.memory_space<semaphore_mem>>
      %dma_start3A_35 = arith.constant 0 : i32
      %dma_start3A_36 = arith.constant 0 : i32
      %dma_start3A_37 = tpu.memref_slice %arg5[%add3A, %dma_start3A_35, %dma_start3A_36] : memref<32x64x128xi32, #tpu.memory_space<hbm>> -> memref<1x64x128xi32, #tpu.memory_space<hbm>>
      %dma_start3A_38 = tpu.memref_squeeze %dma_start3A_37 : memref<1x64x128xi32, #tpu.memory_space<hbm>> -> memref<64x128xi32, #tpu.memory_space<hbm>>
      %dma_start3A_39 = arith.constant 0 : i32
      %dma_start3A_40 = arith.constant 0 : i32
      %dma_start3A_41 = tpu.memref_slice %arg5[%add3A, %dma_start3A_39, %dma_start3A_40] : memref<32x64x128xi32, #tpu.memory_space<hbm>> -> memref<1x64x128xi32, #tpu.memory_space<hbm>>
      %dma_start3A_42 = tpu.memref_squeeze %dma_start3A_41 : memref<1x64x128xi32, #tpu.memory_space<hbm>> -> memref<64x128xi32, #tpu.memory_space<hbm>>
      tpu.enqueue_dma source(%dma_start3A_42 : memref<64x128xi32, #tpu.memory_space<hbm>>) target(%arg13 : memref<64x128xi32, #tpu.memory_space<vmem>>) target_semaphore(%run_scoped3A : memref<!tpu.dma_semaphore, #tpu.memory_space<semaphore_mem>>)
      %dma_wait3A_43 = arith.constant 0 : i32
      %dma_wait3A_44 = arith.constant 0 : i32
      %dma_wait3A_45 = tpu.memref_slice %arg5[%add3A, %dma_wait3A_43, %dma_wait3A_44] : memref<32x64x128xi32, #tpu.memory_space<hbm>> -> memref<1x64x128xi32, #tpu.memory_space<hbm>>
      %dma_wait3A_46 = tpu.memref_squeeze %dma_wait3A_45 : memref<1x64x128xi32, #tpu.memory_space<hbm>> -> memref<64x128xi32, #tpu.memory_space<hbm>>
      %dma_wait3A_47 = arith.constant 0 : i32
      %dma_wait3A_48 = arith.constant 0 : i32
      %dma_wait3A_49 = tpu.memref_slice %arg5[%add3A, %dma_wait3A_47, %dma_wait3A_48] : memref<32x64x128xi32, #tpu.memory_space<hbm>> -> memref<1x64x128xi32, #tpu.memory_space<hbm>>
      %dma_wait3A_50 = tpu.memref_squeeze %dma_wait3A_49 : memref<1x64x128xi32, #tpu.memory_space<hbm>> -> memref<64x128xi32, #tpu.memory_space<hbm>>
      tpu.wait_dma2 semaphore(%run_scoped3A : memref<!tpu.dma_semaphore, #tpu.memory_space<semaphore_mem>>) src(%dma_wait3A_50 : memref<64x128xi32, #tpu.memory_space<hbm>>) dst(%arg13 : memref<64x128xi32, #tpu.memory_space<vmem>>)
      tpu.yield
    }) : () -> ()
    %scan3A = arith.constant 0 : i32
    %scan3A_1 = arith.constant 0 : i32
    %scan3A_2 = arith.constant 64 : i32
    %scan3A_3 = arith.addi %scan3A_1, %scan3A_2 : i32
    %scan3A_4 = arith.constant 1 : i32
    %scan3A_5 = scf.for %scan3A_35 = %scan3A_1 to %scan3A_3 step %scan3A_4 iter_args(%scan3A_36 = %scan3A) -> (i32)  : i32 {
      %dma_start3A_37 = arith.constant 0 : i32
      %dma_start3A_38 = tpu.memref_slice %arg13[%scan3A_35, %dma_start3A_37] : memref<64x128xi32, #tpu.memory_space<vmem>> -> memref<1x128xi32, #tpu.memory_space<vmem>>
      %dma_start3A_39 = tpu.memref_squeeze %dma_start3A_38 : memref<1x128xi32, #tpu.memory_space<vmem>> -> memref<128xi32, #tpu.memory_space<vmem>>
      %dma_start3A_40 = arith.constant 0 : i32
      %dma_start3A_41 = arith.constant 0 : i32
      %dma_start3A_42 = tpu.memref_slice %arg2[%dma_start3A_40, %dma_start3A_41] : memref<262144x128xf32, #tpu.memory_space<hbm>> -> memref<262144x128xf32, #tpu.memory_space<hbm>>
      tpu.enqueue_indirect_dma source(%dma_start3A_42 : memref<262144x128xf32, #tpu.memory_space<hbm>>) target(%arg14 : memref<128x128xf32, #tpu.memory_space<vmem>>) offsets(%dma_start3A_39 : memref<128xi32, #tpu.memory_space<vmem>>) semaphore(%arg16 : memref<!tpu.dma_semaphore, #tpu.memory_space<semaphore_mem>>)
      %dma_wait3A_43 = arith.constant 0 : i32
      %dma_wait3A_44 = tpu.memref_slice %arg13[%scan3A_35, %dma_wait3A_43] : memref<64x128xi32, #tpu.memory_space<vmem>> -> memref<1x128xi32, #tpu.memory_space<vmem>>
      %dma_wait3A_45 = tpu.memref_squeeze %dma_wait3A_44 : memref<1x128xi32, #tpu.memory_space<vmem>> -> memref<128xi32, #tpu.memory_space<vmem>>
      %dma_wait3A_46 = arith.constant 0 : i32
      %dma_wait3A_47 = arith.constant 0 : i32
      %dma_wait3A_48 = tpu.memref_slice %arg2[%dma_wait3A_46, %dma_wait3A_47] : memref<262144x128xf32, #tpu.memory_space<hbm>> -> memref<262144x128xf32, #tpu.memory_space<hbm>>
      tpu.wait_indirect_dma semaphore(%arg16 : memref<!tpu.dma_semaphore, #tpu.memory_space<semaphore_mem>>) src(%dma_wait3A_48 : memref<262144x128xf32, #tpu.memory_space<hbm>>) dst(%arg14 : memref<128x128xf32, #tpu.memory_space<vmem>>)
      %mul3A_49 = arith.constant 8192 : i32
      %mul3A_50 = arith.muli %add3A, %mul3A_49 : i32
      %mul3A_51 = arith.constant 128 : i32
      %mul3A_52 = arith.muli %scan3A_35, %mul3A_51 : i32
      %add3A_53 = arith.addi %mul3A_50, %mul3A_52 : i32
      "tpu.region"() ({
        %run_scoped3A = tpu.sem_alloc : memref<!tpu.dma_semaphore, #tpu.memory_space<semaphore_mem>>
        %dma_start3A_55 = arith.constant 0 : i32
        %dma_start3A_56 = tpu.memref_slice %arg8[%add3A_53, %dma_start3A_55] : memref<262144x128xf32, #tpu.memory_space<hbm>> -> memref<128x128xf32, #tpu.memory_space<hbm>>
        %dma_start3A_57 = arith.constant 0 : i32
        %dma_start3A_58 = tpu.memref_slice %arg8[%add3A_53, %dma_start3A_57] : memref<262144x128xf32, #tpu.memory_space<hbm>> -> memref<128x128xf32, #tpu.memory_space<hbm>>
        tpu.enqueue_dma source(%arg14 : memref<128x128xf32, #tpu.memory_space<vmem>>) target(%dma_start3A_58 : memref<128x128xf32, #tpu.memory_space<hbm>>) target_semaphore(%run_scoped3A : memref<!tpu.dma_semaphore, #tpu.memory_space<semaphore_mem>>)
        %dma_wait3A_59 = arith.constant 0 : i32
        %dma_wait3A_60 = tpu.memref_slice %arg8[%add3A_53, %dma_wait3A_59] : memref<262144x128xf32, #tpu.memory_space<hbm>> -> memref<128x128xf32, #tpu.memory_space<hbm>>
        %dma_wait3A_61 = arith.constant 0 : i32
        %dma_wait3A_62 = tpu.memref_slice %arg8[%add3A_53, %dma_wait3A_61] : memref<262144x128xf32, #tpu.memory_space<hbm>> -> memref<128x128xf32, #tpu.memory_space<hbm>>
        tpu.wait_dma2 semaphore(%run_scoped3A : memref<!tpu.dma_semaphore, #tpu.memory_space<semaphore_mem>>) src(%arg14 : memref<128x128xf32, #tpu.memory_space<vmem>>) dst(%dma_wait3A_62 : memref<128x128xf32, #tpu.memory_space<hbm>>)
        tpu.yield
      }) : () -> ()
      %scan3A_54 = arith.constant 0 : i32
      scf.yield %scan3A_54 : i32
    }
    %scan3A_6 = arith.constant 64 : i32
    "tpu.region"() ({
      %run_scoped3A = tpu.sem_alloc : memref<!tpu.dma_semaphore, #tpu.memory_space<semaphore_mem>>
      %dma_start3A_35 = arith.constant 0 : i32
      %dma_start3A_36 = arith.constant 0 : i32
      %dma_start3A_37 = tpu.memref_slice %arg6[%add3A, %dma_start3A_35, %dma_start3A_36] : memref<32x64x128xi32, #tpu.memory_space<hbm>> -> memref<1x64x128xi32, #tpu.memory_space<hbm>>
      %dma_start3A_38 = tpu.memref_squeeze %dma_start3A_37 : memref<1x64x128xi32, #tpu.memory_space<hbm>> -> memref<64x128xi32, #tpu.memory_space<hbm>>
      %dma_start3A_39 = arith.constant 0 : i32
      %dma_start3A_40 = arith.constant 0 : i32
      %dma_start3A_41 = tpu.memref_slice %arg6[%add3A, %dma_start3A_39, %dma_start3A_40] : memref<32x64x128xi32, #tpu.memory_space<hbm>> -> memref<1x64x128xi32, #tpu.memory_space<hbm>>
      %dma_start3A_42 = tpu.memref_squeeze %dma_start3A_41 : memref<1x64x128xi32, #tpu.memory_space<hbm>> -> memref<64x128xi32, #tpu.memory_space<hbm>>
      tpu.enqueue_dma source(%dma_start3A_42 : memref<64x128xi32, #tpu.memory_space<hbm>>) target(%arg13 : memref<64x128xi32, #tpu.memory_space<vmem>>) target_semaphore(%run_scoped3A : memref<!tpu.dma_semaphore, #tpu.memory_space<semaphore_mem>>)
      %dma_wait3A_43 = arith.constant 0 : i32
      %dma_wait3A_44 = arith.constant 0 : i32
      %dma_wait3A_45 = tpu.memref_slice %arg6[%add3A, %dma_wait3A_43, %dma_wait3A_44] : memref<32x64x128xi32, #tpu.memory_space<hbm>> -> memref<1x64x128xi32, #tpu.memory_space<hbm>>
      %dma_wait3A_46 = tpu.memref_squeeze %dma_wait3A_45 : memref<1x64x128xi32, #tpu.memory_space<hbm>> -> memref<64x128xi32, #tpu.memory_space<hbm>>
      %dma_wait3A_47 = arith.constant 0 : i32
      %dma_wait3A_48 = arith.constant 0 : i32
      %dma_wait3A_49 = tpu.memref_slice %arg6[%add3A, %dma_wait3A_47, %dma_wait3A_48] : memref<32x64x128xi32, #tpu.memory_space<hbm>> -> memref<1x64x128xi32, #tpu.memory_space<hbm>>
      %dma_wait3A_50 = tpu.memref_squeeze %dma_wait3A_49 : memref<1x64x128xi32, #tpu.memory_space<hbm>> -> memref<64x128xi32, #tpu.memory_space<hbm>>
      tpu.wait_dma2 semaphore(%run_scoped3A : memref<!tpu.dma_semaphore, #tpu.memory_space<semaphore_mem>>) src(%dma_wait3A_50 : memref<64x128xi32, #tpu.memory_space<hbm>>) dst(%arg13 : memref<64x128xi32, #tpu.memory_space<vmem>>)
      tpu.yield
    }) : () -> ()
    %scan3A_7 = arith.constant 0 : i32
    %scan3A_8 = arith.constant 0 : i32
    %scan3A_9 = arith.constant 64 : i32
    %scan3A_10 = arith.addi %scan3A_8, %scan3A_9 : i32
    %scan3A_11 = arith.constant 1 : i32
    %scan3A_12 = scf.for %scan3A_35 = %scan3A_8 to %scan3A_10 step %scan3A_11 iter_args(%scan3A_36 = %scan3A_7) -> (i32)  : i32 {
      %dma_start3A_37 = arith.constant 0 : i32
      %dma_start3A_38 = tpu.memref_slice %arg13[%scan3A_35, %dma_start3A_37] : memref<64x128xi32, #tpu.memory_space<vmem>> -> memref<1x128xi32, #tpu.memory_space<vmem>>
      %dma_start3A_39 = tpu.memref_squeeze %dma_start3A_38 : memref<1x128xi32, #tpu.memory_space<vmem>> -> memref<128xi32, #tpu.memory_space<vmem>>
      %dma_start3A_40 = arith.constant 0 : i32
      %dma_start3A_41 = arith.constant 0 : i32
      %dma_start3A_42 = tpu.memref_slice %arg3[%dma_start3A_40, %dma_start3A_41] : memref<262144x128xf32, #tpu.memory_space<hbm>> -> memref<262144x128xf32, #tpu.memory_space<hbm>>
      tpu.enqueue_indirect_dma source(%dma_start3A_42 : memref<262144x128xf32, #tpu.memory_space<hbm>>) target(%arg14 : memref<128x128xf32, #tpu.memory_space<vmem>>) offsets(%dma_start3A_39 : memref<128xi32, #tpu.memory_space<vmem>>) semaphore(%arg16 : memref<!tpu.dma_semaphore, #tpu.memory_space<semaphore_mem>>)
      %dma_wait3A_43 = arith.constant 0 : i32
      %dma_wait3A_44 = tpu.memref_slice %arg13[%scan3A_35, %dma_wait3A_43] : memref<64x128xi32, #tpu.memory_space<vmem>> -> memref<1x128xi32, #tpu.memory_space<vmem>>
      %dma_wait3A_45 = tpu.memref_squeeze %dma_wait3A_44 : memref<1x128xi32, #tpu.memory_space<vmem>> -> memref<128xi32, #tpu.memory_space<vmem>>
      %dma_wait3A_46 = arith.constant 0 : i32
      %dma_wait3A_47 = arith.constant 0 : i32
      %dma_wait3A_48 = tpu.memref_slice %arg3[%dma_wait3A_46, %dma_wait3A_47] : memref<262144x128xf32, #tpu.memory_space<hbm>> -> memref<262144x128xf32, #tpu.memory_space<hbm>>
      tpu.wait_indirect_dma semaphore(%arg16 : memref<!tpu.dma_semaphore, #tpu.memory_space<semaphore_mem>>) src(%dma_wait3A_48 : memref<262144x128xf32, #tpu.memory_space<hbm>>) dst(%arg14 : memref<128x128xf32, #tpu.memory_space<vmem>>)
      %mul3A_49 = arith.constant 8192 : i32
      %mul3A_50 = arith.muli %add3A, %mul3A_49 : i32
      %mul3A_51 = arith.constant 128 : i32
      %mul3A_52 = arith.muli %scan3A_35, %mul3A_51 : i32
      %add3A_53 = arith.addi %mul3A_50, %mul3A_52 : i32
      "tpu.region"() ({
        %run_scoped3A = tpu.sem_alloc : memref<!tpu.dma_semaphore, #tpu.memory_space<semaphore_mem>>
        %dma_start3A_55 = arith.constant 0 : i32
        %dma_start3A_56 = tpu.memref_slice %arg9[%add3A_53, %dma_start3A_55] : memref<262144x128xf32, #tpu.memory_space<hbm>> -> memref<128x128xf32, #tpu.memory_space<hbm>>
        %dma_start3A_57 = arith.constant 0 : i32
        %dma_start3A_58 = tpu.memref_slice %arg9[%add3A_53, %dma_start3A_57] : memref<262144x128xf32, #tpu.memory_space<hbm>> -> memref<128x128xf32, #tpu.memory_space<hbm>>
        tpu.enqueue_dma source(%arg14 : memref<128x128xf32, #tpu.memory_space<vmem>>) target(%dma_start3A_58 : memref<128x128xf32, #tpu.memory_space<hbm>>) target_semaphore(%run_scoped3A : memref<!tpu.dma_semaphore, #tpu.memory_space<semaphore_mem>>)
        %dma_wait3A_59 = arith.constant 0 : i32
        %dma_wait3A_60 = tpu.memref_slice %arg9[%add3A_53, %dma_wait3A_59] : memref<262144x128xf32, #tpu.memory_space<hbm>> -> memref<128x128xf32, #tpu.memory_space<hbm>>
        %dma_wait3A_61 = arith.constant 0 : i32
        %dma_wait3A_62 = tpu.memref_slice %arg9[%add3A_53, %dma_wait3A_61] : memref<262144x128xf32, #tpu.memory_space<hbm>> -> memref<128x128xf32, #tpu.memory_space<hbm>>
        tpu.wait_dma2 semaphore(%run_scoped3A : memref<!tpu.dma_semaphore, #tpu.memory_space<semaphore_mem>>) src(%arg14 : memref<128x128xf32, #tpu.memory_space<vmem>>) dst(%dma_wait3A_62 : memref<128x128xf32, #tpu.memory_space<hbm>>)
        tpu.yield
      }) : () -> ()
      %scan3A_54 = arith.constant 0 : i32
      scf.yield %scan3A_54 : i32
    }
    %scan3A_13 = arith.constant 64 : i32
    %scan3A_14 = arith.constant 0 : i32
    %scan3A_15 = arith.constant 0 : i32
    %scan3A_16 = arith.constant 64 : i32
    %scan3A_17 = arith.addi %scan3A_15, %scan3A_16 : i32
    %scan3A_18 = arith.constant 1 : i32
    %scan3A_19 = scf.for %scan3A_35 = %scan3A_15 to %scan3A_17 step %scan3A_18 iter_args(%scan3A_36 = %scan3A_14) -> (i32)  : i32 {
      %dma_start3A_37 = arith.constant 0 : i32
      %dma_start3A_38 = tpu.memref_slice %arg13[%scan3A_35, %dma_start3A_37] : memref<64x128xi32, #tpu.memory_space<vmem>> -> memref<1x128xi32, #tpu.memory_space<vmem>>
      %dma_start3A_39 = tpu.memref_squeeze %dma_start3A_38 : memref<1x128xi32, #tpu.memory_space<vmem>> -> memref<128xi32, #tpu.memory_space<vmem>>
      %dma_start3A_40 = arith.constant 0 : i32
      %dma_start3A_41 = arith.constant 0 : i32
      %dma_start3A_42 = tpu.memref_slice %arg4[%dma_start3A_40, %dma_start3A_41] : memref<262144x128xf32, #tpu.memory_space<hbm>> -> memref<262144x128xf32, #tpu.memory_space<hbm>>
      tpu.enqueue_indirect_dma source(%dma_start3A_42 : memref<262144x128xf32, #tpu.memory_space<hbm>>) target(%arg14 : memref<128x128xf32, #tpu.memory_space<vmem>>) offsets(%dma_start3A_39 : memref<128xi32, #tpu.memory_space<vmem>>) semaphore(%arg16 : memref<!tpu.dma_semaphore, #tpu.memory_space<semaphore_mem>>)
      %dma_wait3A_43 = arith.constant 0 : i32
      %dma_wait3A_44 = tpu.memref_slice %arg13[%scan3A_35, %dma_wait3A_43] : memref<64x128xi32, #tpu.memory_space<vmem>> -> memref<1x128xi32, #tpu.memory_space<vmem>>
      %dma_wait3A_45 = tpu.memref_squeeze %dma_wait3A_44 : memref<1x128xi32, #tpu.memory_space<vmem>> -> memref<128xi32, #tpu.memory_space<vmem>>
      %dma_wait3A_46 = arith.constant 0 : i32
      %dma_wait3A_47 = arith.constant 0 : i32
      %dma_wait3A_48 = tpu.memref_slice %arg4[%dma_wait3A_46, %dma_wait3A_47] : memref<262144x128xf32, #tpu.memory_space<hbm>> -> memref<262144x128xf32, #tpu.memory_space<hbm>>
      tpu.wait_indirect_dma semaphore(%arg16 : memref<!tpu.dma_semaphore, #tpu.memory_space<semaphore_mem>>) src(%dma_wait3A_48 : memref<262144x128xf32, #tpu.memory_space<hbm>>) dst(%arg14 : memref<128x128xf32, #tpu.memory_space<vmem>>)
      %mul3A_49 = arith.constant 8192 : i32
      %mul3A_50 = arith.muli %add3A, %mul3A_49 : i32
      %mul3A_51 = arith.constant 128 : i32
      %mul3A_52 = arith.muli %scan3A_35, %mul3A_51 : i32
      %add3A_53 = arith.addi %mul3A_50, %mul3A_52 : i32
      "tpu.region"() ({
        %run_scoped3A = tpu.sem_alloc : memref<!tpu.dma_semaphore, #tpu.memory_space<semaphore_mem>>
        %dma_start3A_55 = arith.constant 0 : i32
        %dma_start3A_56 = tpu.memref_slice %arg10[%add3A_53, %dma_start3A_55] : memref<262144x128xf32, #tpu.memory_space<hbm>> -> memref<128x128xf32, #tpu.memory_space<hbm>>
        %dma_start3A_57 = arith.constant 0 : i32
        %dma_start3A_58 = tpu.memref_slice %arg10[%add3A_53, %dma_start3A_57] : memref<262144x128xf32, #tpu.memory_space<hbm>> -> memref<128x128xf32, #tpu.memory_space<hbm>>
        tpu.enqueue_dma source(%arg14 : memref<128x128xf32, #tpu.memory_space<vmem>>) target(%dma_start3A_58 : memref<128x128xf32, #tpu.memory_space<hbm>>) target_semaphore(%run_scoped3A : memref<!tpu.dma_semaphore, #tpu.memory_space<semaphore_mem>>)
        %dma_wait3A_59 = arith.constant 0 : i32
        %dma_wait3A_60 = tpu.memref_slice %arg10[%add3A_53, %dma_wait3A_59] : memref<262144x128xf32, #tpu.memory_space<hbm>> -> memref<128x128xf32, #tpu.memory_space<hbm>>
        %dma_wait3A_61 = arith.constant 0 : i32
        %dma_wait3A_62 = tpu.memref_slice %arg10[%add3A_53, %dma_wait3A_61] : memref<262144x128xf32, #tpu.memory_space<hbm>> -> memref<128x128xf32, #tpu.memory_space<hbm>>
        tpu.wait_dma2 semaphore(%run_scoped3A : memref<!tpu.dma_semaphore, #tpu.memory_space<semaphore_mem>>) src(%arg14 : memref<128x128xf32, #tpu.memory_space<vmem>>) dst(%dma_wait3A_62 : memref<128x128xf32, #tpu.memory_space<hbm>>)
        tpu.yield
      }) : () -> ()
      %scan3A_54 = arith.constant 0 : i32
      scf.yield %scan3A_54 : i32
    }
    %scan3A_20 = arith.constant 64 : i32
    "tpu.region"() ({
      %run_scoped3A = tpu.sem_alloc : memref<!tpu.dma_semaphore, #tpu.memory_space<semaphore_mem>>
      %dma_start3A_35 = arith.constant 0 : i32
      %dma_start3A_36 = tpu.memref_slice %arg7[%add3A, %dma_start3A_35] : memref<32x128xi32, #tpu.memory_space<hbm>> -> memref<1x128xi32, #tpu.memory_space<hbm>>
      %dma_start3A_37 = tpu.memref_squeeze %dma_start3A_36 : memref<1x128xi32, #tpu.memory_space<hbm>> -> memref<128xi32, #tpu.memory_space<hbm>>
      %dma_start3A_38 = arith.constant 0 : i32
      %dma_start3A_39 = tpu.memref_slice %arg7[%add3A, %dma_start3A_38] : memref<32x128xi32, #tpu.memory_space<hbm>> -> memref<1x128xi32, #tpu.memory_space<hbm>>
      %dma_start3A_40 = tpu.memref_squeeze %dma_start3A_39 : memref<1x128xi32, #tpu.memory_space<hbm>> -> memref<128xi32, #tpu.memory_space<hbm>>
      tpu.enqueue_dma source(%dma_start3A_40 : memref<128xi32, #tpu.memory_space<hbm>>) target(%arg15 : memref<128xi32, #tpu.memory_space<vmem>>) target_semaphore(%run_scoped3A : memref<!tpu.dma_semaphore, #tpu.memory_space<semaphore_mem>>)
      %dma_wait3A_41 = arith.constant 0 : i32
      %dma_wait3A_42 = tpu.memref_slice %arg7[%add3A, %dma_wait3A_41] : memref<32x128xi32, #tpu.memory_space<hbm>> -> memref<1x128xi32, #tpu.memory_space<hbm>>
      %dma_wait3A_43 = tpu.memref_squeeze %dma_wait3A_42 : memref<1x128xi32, #tpu.memory_space<hbm>> -> memref<128xi32, #tpu.memory_space<hbm>>
      %dma_wait3A_44 = arith.constant 0 : i32
      %dma_wait3A_45 = tpu.memref_slice %arg7[%add3A, %dma_wait3A_44] : memref<32x128xi32, #tpu.memory_space<hbm>> -> memref<1x128xi32, #tpu.memory_space<hbm>>
      %dma_wait3A_46 = tpu.memref_squeeze %dma_wait3A_45 : memref<1x128xi32, #tpu.memory_space<hbm>> -> memref<128xi32, #tpu.memory_space<hbm>>
      tpu.wait_dma2 semaphore(%run_scoped3A : memref<!tpu.dma_semaphore, #tpu.memory_space<semaphore_mem>>) src(%dma_wait3A_46 : memref<128xi32, #tpu.memory_space<hbm>>) dst(%arg15 : memref<128xi32, #tpu.memory_space<vmem>>)
      tpu.yield
    }) : () -> ()
    %dma_start3A = arith.constant 0 : i32
    %dma_start3A_21 = arith.constant 0 : i32
    %dma_start3A_22 = tpu.memref_slice %arg9[%dma_start3A, %dma_start3A_21] : memref<262144x128xf32, #tpu.memory_space<hbm>> -> memref<262144x128xf32, #tpu.memory_space<hbm>>
    tpu.enqueue_indirect_dma source(%dma_start3A_22 : memref<262144x128xf32, #tpu.memory_space<hbm>>) target(%arg14 : memref<128x128xf32, #tpu.memory_space<vmem>>) offsets(%arg15 : memref<128xi32, #tpu.memory_space<vmem>>) semaphore(%arg16 : memref<!tpu.dma_semaphore, #tpu.memory_space<semaphore_mem>>)
    %dma_wait3A = arith.constant 0 : i32
    %dma_wait3A_23 = arith.constant 0 : i32
    %dma_wait3A_24 = tpu.memref_slice %arg9[%dma_wait3A, %dma_wait3A_23] : memref<262144x128xf32, #tpu.memory_space<hbm>> -> memref<262144x128xf32, #tpu.memory_space<hbm>>
    tpu.wait_indirect_dma semaphore(%arg16 : memref<!tpu.dma_semaphore, #tpu.memory_space<semaphore_mem>>) src(%dma_wait3A_24 : memref<262144x128xf32, #tpu.memory_space<hbm>>) dst(%arg14 : memref<128x128xf32, #tpu.memory_space<vmem>>)
    %mul3A_25 = arith.constant 128 : i32
    %mul3A_26 = arith.muli %add3A, %mul3A_25 : i32
    "tpu.region"() ({
      %run_scoped3A = tpu.sem_alloc : memref<!tpu.dma_semaphore, #tpu.memory_space<semaphore_mem>>
      %dma_start3A_35 = arith.constant 0 : i32
      %dma_start3A_36 = tpu.memref_slice %arg11[%mul3A_26, %dma_start3A_35] : memref<4096x128xf32, #tpu.memory_space<hbm>> -> memref<128x128xf32, #tpu.memory_space<hbm>>
      %dma_start3A_37 = arith.constant 0 : i32
      %dma_start3A_38 = tpu.memref_slice %arg11[%mul3A_26, %dma_start3A_37] : memref<4096x128xf32, #tpu.memory_space<hbm>> -> memref<128x128xf32, #tpu.memory_space<hbm>>
      tpu.enqueue_dma source(%arg14 : memref<128x128xf32, #tpu.memory_space<vmem>>) target(%dma_start3A_38 : memref<128x128xf32, #tpu.memory_space<hbm>>) target_semaphore(%run_scoped3A : memref<!tpu.dma_semaphore, #tpu.memory_space<semaphore_mem>>)
      %dma_wait3A_39 = arith.constant 0 : i32
      %dma_wait3A_40 = tpu.memref_slice %arg11[%mul3A_26, %dma_wait3A_39] : memref<4096x128xf32, #tpu.memory_space<hbm>> -> memref<128x128xf32, #tpu.memory_space<hbm>>
      %dma_wait3A_41 = arith.constant 0 : i32
      %dma_wait3A_42 = tpu.memref_slice %arg11[%mul3A_26, %dma_wait3A_41] : memref<4096x128xf32, #tpu.memory_space<hbm>> -> memref<128x128xf32, #tpu.memory_space<hbm>>
      tpu.wait_dma2 semaphore(%run_scoped3A : memref<!tpu.dma_semaphore, #tpu.memory_space<semaphore_mem>>) src(%arg14 : memref<128x128xf32, #tpu.memory_space<vmem>>) dst(%dma_wait3A_42 : memref<128x128xf32, #tpu.memory_space<hbm>>)
      tpu.yield
    }) : () -> ()
    %dma_start3A_27 = arith.constant 0 : i32
    %dma_start3A_28 = arith.constant 0 : i32
    %dma_start3A_29 = tpu.memref_slice %arg10[%dma_start3A_27, %dma_start3A_28] : memref<262144x128xf32, #tpu.memory_space<hbm>> -> memref<262144x128xf32, #tpu.memory_space<hbm>>
    tpu.enqueue_indirect_dma source(%dma_start3A_29 : memref<262144x128xf32, #tpu.memory_space<hbm>>) target(%arg14 : memref<128x128xf32, #tpu.memory_space<vmem>>) offsets(%arg15 : memref<128xi32, #tpu.memory_space<vmem>>) semaphore(%arg16 : memref<!tpu.dma_semaphore, #tpu.memory_space<semaphore_mem>>)
    %dma_wait3A_30 = arith.constant 0 : i32
    %dma_wait3A_31 = arith.constant 0 : i32
    %dma_wait3A_32 = tpu.memref_slice %arg10[%dma_wait3A_30, %dma_wait3A_31] : memref<262144x128xf32, #tpu.memory_space<hbm>> -> memref<262144x128xf32, #tpu.memory_space<hbm>>
    tpu.wait_indirect_dma semaphore(%arg16 : memref<!tpu.dma_semaphore, #tpu.memory_space<semaphore_mem>>) src(%dma_wait3A_32 : memref<262144x128xf32, #tpu.memory_space<hbm>>) dst(%arg14 : memref<128x128xf32, #tpu.memory_space<vmem>>)
    %mul3A_33 = arith.constant 128 : i32
    %mul3A_34 = arith.muli %add3A, %mul3A_33 : i32
    "tpu.region"() ({
      %run_scoped3A = tpu.sem_alloc : memref<!tpu.dma_semaphore, #tpu.memory_space<semaphore_mem>>
      %dma_start3A_35 = arith.constant 0 : i32
      %dma_start3A_36 = tpu.memref_slice %arg12[%mul3A_34, %dma_start3A_35] : memref<4096x128xf32, #tpu.memory_space<hbm>> -> memref<128x128xf32, #tpu.memory_space<hbm>>
      %dma_start3A_37 = arith.constant 0 : i32
      %dma_start3A_38 = tpu.memref_slice %arg12[%mul3A_34, %dma_start3A_37] : memref<4096x128xf32, #tpu.memory_space<hbm>> -> memref<128x128xf32, #tpu.memory_space<hbm>>
      tpu.enqueue_dma source(%arg14 : memref<128x128xf32, #tpu.memory_space<vmem>>) target(%dma_start3A_38 : memref<128x128xf32, #tpu.memory_space<hbm>>) target_semaphore(%run_scoped3A : memref<!tpu.dma_semaphore, #tpu.memory_space<semaphore_mem>>)
      %dma_wait3A_39 = arith.constant 0 : i32
      %dma_wait3A_40 = tpu.memref_slice %arg12[%mul3A_34, %dma_wait3A_39] : memref<4096x128xf32, #tpu.memory_space<hbm>> -> memref<128x128xf32, #tpu.memory_space<hbm>>
      %dma_wait3A_41 = arith.constant 0 : i32
      %dma_wait3A_42 = tpu.memref_slice %arg12[%mul3A_34, %dma_wait3A_41] : memref<4096x128xf32, #tpu.memory_space<hbm>> -> memref<128x128xf32, #tpu.memory_space<hbm>>
      tpu.wait_dma2 semaphore(%run_scoped3A : memref<!tpu.dma_semaphore, #tpu.memory_space<semaphore_mem>>) src(%arg14 : memref<128x128xf32, #tpu.memory_space<vmem>>) dst(%dma_wait3A_42 : memref<128x128xf32, #tpu.memory_space<hbm>>)
      tpu.yield
    }) : () -> ()
    return
  }
}

module attributes {stable_mosaic.version = 14 : i64} {
  func.func @_pad_body(%arg0: i32, %arg1: i32, %arg2: memref<1x512x64xf32, #tpu.memory_space<vmem>>, %arg3: memref<1x512x128xf32, #tpu.memory_space<vmem>>) attributes {dimension_semantics = [#tpu.dimension_semantics<arbitrary>, #tpu.dimension_semantics<arbitrary>], iteration_bounds = array<i64: 32, 16>, scalar_prefetch = 0 : i64, scratch_operands = 0 : i64, tpu.core_type = #tpu.core_type<tc>, window_params = [{transform_indices = @transform_0, window_bounds = array<i64: 1, 512, 64>}, {transform_indices = @transform_1, window_bounds = array<i64: 1, 512, 128>}]} {
    %get3A = arith.constant 0 : index
    %get3A_0 = arith.constant 0 : index
    %get3A_1 = arith.constant 0 : index
    %get3A_2 = vector.load %arg2[%get3A, %get3A_0, %get3A_1] : memref<1x512x64xf32, #tpu.memory_space<vmem>>, vector<1x512x64xf32>
    %get3A_3 = vector.shape_cast %get3A_2 : vector<1x512x64xf32> to vector<512x64xf32>
    %broadcast_in_dim3A = arith.constant 0.000000e+00 : f32
    %broadcast_in_dim3A_4 = vector.broadcast %broadcast_in_dim3A : f32 to vector<512x64xf32>
    %concatenate3A = tpu.concatenate %get3A_3, %broadcast_in_dim3A_4 in 1 : vector<512x64xf32>, vector<512x64xf32> -> vector<512x128xf32>
    %swap3A = arith.constant 0 : index
    %swap3A_5 = arith.constant 0 : index
    %swap3A_6 = arith.constant 0 : index
    %swap3A_7 = vector.load %arg3[%swap3A, %swap3A_5, %swap3A_6] : memref<1x512x128xf32, #tpu.memory_space<vmem>>, vector<1x512x128xf32>
    %swap3A_8 = vector.shape_cast %swap3A_7 : vector<1x512x128xf32> to vector<512x128xf32>
    %swap3A_9 = vector.shape_cast %concatenate3A : vector<512x128xf32> to vector<1x512x128xf32>
    tpu.vector_store %arg3[%swap3A, %swap3A_5, %swap3A_6], %swap3A_9 {strides = array<i32>} : memref<1x512x128xf32, #tpu.memory_space<vmem>>, vector<1x512x128xf32>,
    return
  }
  func.func @transform_0(%arg0: i32, %arg1: i32) -> (i32, i32, i32) {
    %c0_i32 = arith.constant 0 : i32
    %c0_i32_0 = arith.constant 0 : i32
    return %arg0, %arg1, %c0_i32 : i32, i32, i32
  }
  func.func @transform_1(%arg0: i32, %arg1: i32) -> (i32, i32, i32) {
    %c0_i32 = arith.constant 0 : i32
    %c0_i32_0 = arith.constant 0 : i32
    return %arg0, %arg1, %c0_i32 : i32, i32, i32
  }
}

module attributes {stable_mosaic.version = 14 : i64} {
  func.func @_hash_rank_body(%arg0: i32, %arg1: memref<1x8192x64xf32, #tpu.memory_space<vmem>>, %arg2: memref<1x8192x64xf32, #tpu.memory_space<vmem>>, %arg3: memref<64x128xf32, #tpu.memory_space<vmem>>, %arg4: memref<1x1x8192xi32, #tpu.memory_space<vmem>>, %arg5: memref<1x64x128xi32, #tpu.memory_space<vmem>>, %arg6: memref<1x64x128xi32, #tpu.memory_space<vmem>>, %arg7: memref<4x2048xi32, #tpu.memory_space<vmem>>, %arg8: memref<4x2048xf32, #tpu.memory_space<vmem>>, %arg9: memref<4x256xf32, #tpu.memory_space<vmem>>, %arg10: memref<4x256xf32, #tpu.memory_space<vmem>>, %arg11: memref<64x128xf32, #tpu.memory_space<vmem>>) attributes {dimension_semantics = [#tpu.dimension_semantics<arbitrary>], iteration_bounds = array<i64: 32>, scalar_prefetch = 0 : i64, scratch_operands = 5 : i64, tpu.core_type = #tpu.core_type<tc>, window_params = [{transform_indices = @transform_0, window_bounds = array<i64: 1, 8192, 64>}, {transform_indices = @transform_1, window_bounds = array<i64: 1, 8192, 64>}, {pipeline_mode = #tpu.pipeline_mode<synchronous>, transform_indices = @transform_2, window_bounds = array<i64: 64, 128>}, {transform_indices = @transform_3, window_bounds = array<i64: 1, 1, 8192>}, {transform_indices = @transform_4, window_bounds = array<i64: 1, 64, 128>}, {transform_indices = @transform_5, window_bounds = array<i64: 1, 64, 128>}]} {
    %mul3A = arith.constant 8192 : i32
    %mul3A_0 = arith.muli %arg0, %mul3A : i32
    %iota3A = tpu.iota {dimensions = array<i32: 1>} : vector<1x128xi32>
    %lt3A = arith.constant 8 : i32
    %lt3A_1 = vector.broadcast %lt3A : i32 to vector<1x128xi32>
    %lt3A_2 = arith.cmpi slt, %iota3A, %lt3A_1 : vector<1x128xi32>
    %min3A = arith.constant 7 : i32
    %min3A_3 = vector.broadcast %min3A : i32 to vector<1x128xi32>
    %min3A_4 = arith.minsi %iota3A, %min3A_3 : vector<1x128xi32>
    %shift_left3A = arith.constant 1 : i32
    %shift_left3A_5 = vector.broadcast %shift_left3A : i32 to vector<1x128xi32>
    %shift_left3A_6 = arith.shli %shift_left3A_5, %min3A_4 : vector<1x128xi32>
    %jit3A = arith.constant 0 : i32
    %broadcast_in_dim3A = vector.broadcast %jit3A : i32 to vector<1x128xi32>
    %select_n3A = arith.select %lt3A_2, %shift_left3A_6, %broadcast_in_dim3A : vector<1x128xi1>, vector<1x128xi32>
    %convert_element_type3A = arith.sitofp %select_n3A : vector<1x128xi32> to vector<1x128xf32>
    %iota3A_7 = tpu.iota {dimensions = array<i32: 0>} : vector<2048x2048xi32>
    %iota3A_8 = tpu.iota {dimensions = array<i32: 1>} : vector<2048x2048xi32>
    %lt3A_9 = arith.cmpi slt, %iota3A_7, %iota3A_8 : vector<2048x2048xi32>
    %convert_element_type3A_10 = arith.extui %lt3A_9 : vector<2048x2048xi1> to vector<2048x2048xi32>
    %convert_element_type3A_11 = arith.sitofp %convert_element_type3A_10 : vector<2048x2048xi32> to vector<2048x2048xf32>
    %convert_element_type3A_12 = arith.truncf %convert_element_type3A_11 : vector<2048x2048xf32> to vector<2048x2048xbf16>
    %iota3A_13 = tpu.iota {dimensions = array<i32: 0>} : vector<256x1xi32>
    %iota3A_14 = tpu.iota {dimensions = array<i32: 0>} : vector<256x256xi32>
    %iota3A_15 = tpu.iota {dimensions = array<i32: 1>} : vector<256x256xi32>
    %lt3A_16 = arith.cmpi slt, %iota3A_14, %iota3A_15 : vector<256x256xi32>
    %convert_element_type3A_17 = arith.extui %lt3A_16 : vector<256x256xi1> to vector<256x256xi32>
    %convert_element_type3A_18 = arith.sitofp %convert_element_type3A_17 : vector<256x256xi32> to vector<256x256xf32>
    %get3A = arith.constant 0 : index
    %get3A_19 = arith.constant 0 : index
    %get3A_20 = vector.load %arg3[%get3A, %get3A_19] : memref<64x128xf32, #tpu.memory_space<vmem>>, vector<64x128xf32>
    %iota3A_21 = tpu.iota {dimensions = array<i32: 0>} : vector<64x1xi32>
    %iota3A_22 = tpu.iota {dimensions = array<i32: 0>} : vector<128x1xi32>
    %iota3A_23 = tpu.iota {dimensions = array<i32: 1>} : vector<1x2048xi32>
    %broadcast_in_dim3A_24 = arith.constant 1.000000e+00 : f32
    %broadcast_in_dim3A_25 = vector.broadcast %broadcast_in_dim3A_24 : f32 to vector<1x2048xf32>
    %scan3A = arith.constant 0 : i32
    %scan3A_26 = arith.constant 4 : i32
    %scan3A_27 = arith.addi %scan3A, %scan3A_26 : i32
    %scan3A_28 = arith.constant 1 : i32
    scf.for %scan3A_168 = %scan3A to %scan3A_27 step %scan3A_28  : i32 {
      %mul3A_169 = arith.constant 2048 : i32
      %mul3A_170 = arith.muli %scan3A_168, %mul3A_169 : i32
      %get3A_171 = arith.constant 0 : index
      %get3A_172 = arith.index_cast %mul3A_170 : i32 to index
      %get3A_173 = arith.constant 0 : index
      %get3A_174 = vector.load %arg1[%get3A_171, %get3A_172, %get3A_173] : memref<1x8192x64xf32, #tpu.memory_space<vmem>>, vector<1x2048x64xf32>
      %get3A_175 = vector.shape_cast %get3A_174 : vector<1x2048x64xf32> to vector<2048x64xf32>
      %dot_general3A_176 = arith.constant dense<0.000000e+00> : vector<2048x128xf32>
      %dot_general3A_177 = tpu.matmul %get3A_175, %get3A_20, %dot_general3A_176 {dimension_numbers = #tpu.dot_dimension_numbers<[1], [0], [0], [1], [0, 0, 1, 1], [], []>, transpose_lhs_hint = false} : vector<2048x64xf32>, vector<64x128xf32>, vector<2048x128xf32> -> vector<2048x128xf32>
      %gt3A = arith.constant 0.000000e+00 : f32
      %gt3A_178 = vector.broadcast %gt3A : f32 to vector<2048x128xf32>
      %gt3A_179 = arith.cmpf ogt, %dot_general3A_177, %gt3A_178 : vector<2048x128xf32>
      %convert_element_type3A_180 = arith.extui %gt3A_179 : vector<2048x128xi1> to vector<2048x128xi32>
      %convert_element_type3A_181 = arith.sitofp %convert_element_type3A_180 : vector<2048x128xi32> to vector<2048x128xf32>
      %dot_general3A_182 = arith.constant dense<0.000000e+00> : vector<1x2048xf32>
      %dot_general3A_183 = tpu.matmul %convert_element_type3A, %convert_element_type3A_181, %dot_general3A_182 {dimension_numbers = #tpu.dot_dimension_numbers<[1], [1], [0], [0], [0, 0, 1, 0], [], []>, transpose_lhs_hint = false} : vector<1x128xf32>, vector<2048x128xf32>, vector<1x2048xf32> -> vector<1x2048xf32>
      %convert_element_type3A_184 = arith.fptosi %dot_general3A_183 : vector<1x2048xf32> to vector<1x2048xi32>
      %shift_right_logical3A_185 = arith.constant 1 : i32
      %shift_right_logical3A_186 = vector.broadcast %shift_right_logical3A_185 : i32 to vector<1x2048xi32>
      %shift_right_logical3A_187 = arith.shrui %convert_element_type3A_184, %shift_right_logical3A_186 : vector<1x2048xi32>
      %xor3A = arith.xori %convert_element_type3A_184, %shift_right_logical3A_187 : vector<1x2048xi32>
      %swap3A_188 = arith.index_cast %scan3A_168 : i32 to index
      %swap3A_189 = arith.constant 0 : index
      %swap3A_190 = vector.load %arg7[%swap3A_188, %swap3A_189] : memref<4x2048xi32, #tpu.memory_space<vmem>>, vector<1x2048xi32>
      tpu.vector_store %arg7[%swap3A_188, %swap3A_189], %xor3A {strides = array<i32>} : memref<4x2048xi32, #tpu.memory_space<vmem>>, vector<1x2048xi32>,
      %eq3A = vector.broadcast %iota3A_13 : vector<256x1xi32> to vector<256x2048xi32>
      %eq3A_191 = vector.broadcast %xor3A : vector<1x2048xi32> to vector<256x2048xi32>
      %eq3A_192 = arith.cmpi eq, %eq3A, %eq3A_191 : vector<256x2048xi32>
      %convert_element_type3A_193 = arith.extui %eq3A_192 : vector<256x2048xi1> to vector<256x2048xi32>
      %convert_element_type3A_194 = arith.sitofp %convert_element_type3A_193 : vector<256x2048xi32> to vector<256x2048xf32>
      %convert_element_type3A_195 = arith.truncf %convert_element_type3A_194 : vector<256x2048xf32> to vector<256x2048xbf16>
      %dot_general3A_196 = arith.constant dense<0.000000e+00> : vector<256x2048xf32>
      %dot_general3A_197 = tpu.matmul %convert_element_type3A_195, %convert_element_type3A_12, %dot_general3A_196 {dimension_numbers = #tpu.dot_dimension_numbers<[1], [0], [0], [1], [0, 0, 1, 1], [], []>, transpose_lhs_hint = false} : vector<256x2048xbf16>, vector<2048x2048xbf16>, vector<256x2048xf32> -> vector<256x2048xf32>
      %mul3A_198 = arith.mulf %convert_element_type3A_194, %dot_general3A_197 : vector<256x2048xf32>
      %reduce_sum3A = arith.constant dense<0.000000e+00> : vector<2048xf32>
      %reduce_sum3A_199 = vector.multi_reduction <add>, %mul3A_198, %reduce_sum3A [0] : vector<256x2048xf32> to vector<2048xf32>
      %broadcast_in_dim3A_200 = vector.shape_cast %reduce_sum3A_199 : vector<2048xf32> to vector<1x2048xf32>
      %swap3A_201 = arith.index_cast %scan3A_168 : i32 to index
      %swap3A_202 = arith.constant 0 : index
      %swap3A_203 = vector.load %arg8[%swap3A_201, %swap3A_202] : memref<4x2048xf32, #tpu.memory_space<vmem>>, vector<1x2048xf32>
      tpu.vector_store %arg8[%swap3A_201, %swap3A_202], %broadcast_in_dim3A_200 {strides = array<i32>} : memref<4x2048xf32, #tpu.memory_space<vmem>>, vector<1x2048xf32>,
      %dot_general3A_204 = arith.constant dense<0.000000e+00> : vector<1x256xf32>
      %dot_general3A_205 = tpu.matmul %broadcast_in_dim3A_25, %convert_element_type3A_194, %dot_general3A_204 {dimension_numbers = #tpu.dot_dimension_numbers<[1], [1], [0], [0], [0, 0, 1, 0], [], []>, transpose_lhs_hint = false} : vector<1x2048xf32>, vector<256x2048xf32>, vector<1x256xf32> -> vector<1x256xf32>
      %swap3A_206 = arith.index_cast %scan3A_168 : i32 to index
      %swap3A_207 = arith.constant 0 : index
      %swap3A_208 = vector.load %arg9[%swap3A_206, %swap3A_207] : memref<4x256xf32, #tpu.memory_space<vmem>>, vector<1x256xf32>
      tpu.vector_store %arg9[%swap3A_206, %swap3A_207], %dot_general3A_205 {strides = array<i32>} : memref<4x256xf32, #tpu.memory_space<vmem>>, vector<1x256xf32>,
    }
    %scan3A_29 = arith.constant 4 : i32
    %broadcast_in_dim3A_30 = arith.constant 0.000000e+00 : f32
    %broadcast_in_dim3A_31 = vector.broadcast %broadcast_in_dim3A_30 : f32 to vector<1x256xf32>
    %swap3A = arith.constant 0 : index
    %swap3A_32 = arith.constant 0 : index
    %swap3A_33 = vector.load %arg10[%swap3A, %swap3A_32] : memref<4x256xf32, #tpu.memory_space<vmem>>, vector<1x256xf32>
    tpu.vector_store %arg10[%swap3A, %swap3A_32], %broadcast_in_dim3A_31 {strides = array<i32>} : memref<4x256xf32, #tpu.memory_space<vmem>>, vector<1x256xf32>,
    %get3A_34 = arith.constant 0 : index
    %get3A_35 = arith.constant 0 : index
    %get3A_36 = vector.load %arg9[%get3A_34, %get3A_35] : memref<4x256xf32, #tpu.memory_space<vmem>>, vector<1x256xf32>
    %add3A = arith.addf %broadcast_in_dim3A_31, %get3A_36 : vector<1x256xf32>
    %swap3A_37 = arith.constant 1 : index
    %swap3A_38 = arith.constant 0 : index
    %swap3A_39 = vector.load %arg10[%swap3A_37, %swap3A_38] : memref<4x256xf32, #tpu.memory_space<vmem>>, vector<1x256xf32>
    tpu.vector_store %arg10[%swap3A_37, %swap3A_38], %add3A {strides = array<i32>} : memref<4x256xf32, #tpu.memory_space<vmem>>, vector<1x256xf32>,
    %get3A_40 = arith.constant 1 : index
    %get3A_41 = arith.constant 0 : index
    %get3A_42 = vector.load %arg9[%get3A_40, %get3A_41] : memref<4x256xf32, #tpu.memory_space<vmem>>, vector<1x256xf32>
    %add3A_43 = arith.addf %add3A, %get3A_42 : vector<1x256xf32>
    %swap3A_44 = arith.constant 2 : index
    %swap3A_45 = arith.constant 0 : index
    %swap3A_46 = vector.load %arg10[%swap3A_44, %swap3A_45] : memref<4x256xf32, #tpu.memory_space<vmem>>, vector<1x256xf32>
    tpu.vector_store %arg10[%swap3A_44, %swap3A_45], %add3A_43 {strides = array<i32>} : memref<4x256xf32, #tpu.memory_space<vmem>>, vector<1x256xf32>,
    %get3A_47 = arith.constant 2 : index
    %get3A_48 = arith.constant 0 : index
    %get3A_49 = vector.load %arg9[%get3A_47, %get3A_48] : memref<4x256xf32, #tpu.memory_space<vmem>>, vector<1x256xf32>
    %add3A_50 = arith.addf %add3A_43, %get3A_49 : vector<1x256xf32>
    %swap3A_51 = arith.constant 3 : index
    %swap3A_52 = arith.constant 0 : index
    %swap3A_53 = vector.load %arg10[%swap3A_51, %swap3A_52] : memref<4x256xf32, #tpu.memory_space<vmem>>, vector<1x256xf32>
    tpu.vector_store %arg10[%swap3A_51, %swap3A_52], %add3A_50 {strides = array<i32>} : memref<4x256xf32, #tpu.memory_space<vmem>>, vector<1x256xf32>,
    %get3A_54 = arith.constant 3 : index
    %get3A_55 = arith.constant 0 : index
    %get3A_56 = vector.load %arg9[%get3A_54, %get3A_55] : memref<4x256xf32, #tpu.memory_space<vmem>>, vector<1x256xf32>
    %add3A_57 = arith.addf %add3A_50, %get3A_56 : vector<1x256xf32>
    %convert_element_type3A_58 = arith.fptosi %add3A_57 : vector<1x256xf32> to vector<1x256xi32>
    %shift_right_logical3A = arith.constant 8 : i32
    %shift_right_logical3A_59 = vector.broadcast %shift_right_logical3A : i32 to vector<1x256xi32>
    %shift_right_logical3A_60 = arith.shrui %convert_element_type3A_58, %shift_right_logical3A_59 : vector<1x256xi32>
    %convert_element_type3A_61 = arith.sitofp %shift_right_logical3A_60 : vector<1x256xi32> to vector<1x256xf32>
    %and3A = arith.constant 255 : i32
    %and3A_62 = vector.broadcast %and3A : i32 to vector<1x256xi32>
    %and3A_63 = arith.andi %convert_element_type3A_58, %and3A_62 : vector<1x256xi32>
    %convert_element_type3A_64 = arith.sitofp %and3A_63 : vector<1x256xi32> to vector<1x256xf32>
    %dot_general3A = arith.constant dense<0.000000e+00> : vector<1x256xf32>
    %dot_general3A_65 = tpu.matmul %convert_element_type3A_61, %convert_element_type3A_18, %dot_general3A {dimension_numbers = #tpu.dot_dimension_numbers<[1], [0], [0], [1], [0, 0, 1, 1], [], []>, transpose_lhs_hint = false} : vector<1x256xf32>, vector<256x256xf32>, vector<1x256xf32> -> vector<1x256xf32>
    %mul3A_66 = arith.constant 2.560000e+02 : f32
    %mul3A_67 = vector.broadcast %mul3A_66 : f32 to vector<1x256xf32>
    %mul3A_68 = arith.mulf %mul3A_67, %dot_general3A_65 : vector<1x256xf32>
    %dot_general3A_69 = arith.constant dense<0.000000e+00> : vector<1x256xf32>
    %dot_general3A_70 = tpu.matmul %convert_element_type3A_64, %convert_element_type3A_18, %dot_general3A_69 {dimension_numbers = #tpu.dot_dimension_numbers<[1], [0], [0], [1], [0, 0, 1, 1], [], []>, transpose_lhs_hint = false} : vector<1x256xf32>, vector<256x256xf32>, vector<1x256xf32> -> vector<1x256xf32>
    %add3A_71 = arith.addf %mul3A_68, %dot_general3A_70 : vector<1x256xf32>
    %broadcast_in_dim3A_72 = arith.constant 0.000000e+00 : f32
    %broadcast_in_dim3A_73 = vector.broadcast %broadcast_in_dim3A_72 : f32 to vector<64x128xf32>
    %swap3A_74 = arith.constant 0 : index
    %swap3A_75 = arith.constant 0 : index
    %swap3A_76 = vector.load %arg11[%swap3A_74, %swap3A_75] : memref<64x128xf32, #tpu.memory_space<vmem>>, vector<64x128xf32>
    tpu.vector_store %arg11[%swap3A_74, %swap3A_75], %broadcast_in_dim3A_73 {strides = array<i32>} : memref<64x128xf32, #tpu.memory_space<vmem>>, vector<64x128xf32>,
    %scan3A_77 = arith.constant 0 : i32
    %scan3A_78 = arith.constant 4 : i32
    %scan3A_79 = arith.addi %scan3A_77, %scan3A_78 : i32
    %scan3A_80 = arith.constant 1 : i32
    scf.for %scan3A_168 = %scan3A_77 to %scan3A_79 step %scan3A_80  : i32 {
      %get3A_169 = arith.index_cast %scan3A_168 : i32 to index
      %get3A_170 = arith.constant 0 : index
      %get3A_171 = vector.load %arg7[%get3A_169, %get3A_170] : memref<4x2048xi32, #tpu.memory_space<vmem>>, vector<1x2048xi32>
      %eq3A = vector.broadcast %iota3A_13 : vector<256x1xi32> to vector<256x2048xi32>
      %eq3A_172 = vector.broadcast %get3A_171 : vector<1x2048xi32> to vector<256x2048xi32>
      %eq3A_173 = arith.cmpi eq, %eq3A, %eq3A_172 : vector<256x2048xi32>
      %convert_element_type3A_174 = arith.extui %eq3A_173 : vector<256x2048xi1> to vector<256x2048xi32>
      %convert_element_type3A_175 = arith.sitofp %convert_element_type3A_174 : vector<256x2048xi32> to vector<256x2048xf32>
      %get3A_176 = arith.index_cast %scan3A_168 : i32 to index
      %get3A_177 = arith.constant 0 : index
      %get3A_178 = vector.load %arg10[%get3A_176, %get3A_177] : memref<4x256xf32, #tpu.memory_space<vmem>>, vector<1x256xf32>
      %add3A_179 = arith.addf %add3A_71, %get3A_178 : vector<1x256xf32>
      %convert_element_type3A_180 = arith.fptosi %add3A_179 : vector<1x256xf32> to vector<1x256xi32>
      %shift_right_logical3A_181 = arith.constant 8 : i32
      %shift_right_logical3A_182 = vector.broadcast %shift_right_logical3A_181 : i32 to vector<1x256xi32>
      %shift_right_logical3A_183 = arith.shrui %convert_element_type3A_180, %shift_right_logical3A_182 : vector<1x256xi32>
      %convert_element_type3A_184 = arith.sitofp %shift_right_logical3A_183 : vector<1x256xi32> to vector<1x256xf32>
      %and3A_185 = arith.constant 255 : i32
      %and3A_186 = vector.broadcast %and3A_185 : i32 to vector<1x256xi32>
      %and3A_187 = arith.andi %convert_element_type3A_180, %and3A_186 : vector<1x256xi32>
      %convert_element_type3A_188 = arith.sitofp %and3A_187 : vector<1x256xi32> to vector<1x256xf32>
      %dot_general3A_189 = arith.constant dense<0.000000e+00> : vector<1x2048xf32>
      %dot_general3A_190 = tpu.matmul %convert_element_type3A_184, %convert_element_type3A_175, %dot_general3A_189 {dimension_numbers = #tpu.dot_dimension_numbers<[1], [0], [0], [1], [0, 0, 1, 1], [], []>, transpose_lhs_hint = false} : vector<1x256xf32>, vector<256x2048xf32>, vector<1x2048xf32> -> vector<1x2048xf32>
      %mul3A_191 = arith.constant 2.560000e+02 : f32
      %mul3A_192 = vector.broadcast %mul3A_191 : f32 to vector<1x2048xf32>
      %mul3A_193 = arith.mulf %mul3A_192, %dot_general3A_190 : vector<1x2048xf32>
      %dot_general3A_194 = arith.constant dense<0.000000e+00> : vector<1x2048xf32>
      %dot_general3A_195 = tpu.matmul %convert_element_type3A_188, %convert_element_type3A_175, %dot_general3A_194 {dimension_numbers = #tpu.dot_dimension_numbers<[1], [0], [0], [1], [0, 0, 1, 1], [], []>, transpose_lhs_hint = false} : vector<1x256xf32>, vector<256x2048xf32>, vector<1x2048xf32> -> vector<1x2048xf32>
      %add3A_196 = arith.addf %mul3A_193, %dot_general3A_195 : vector<1x2048xf32>
      %get3A_197 = arith.index_cast %scan3A_168 : i32 to index
      %get3A_198 = arith.constant 0 : index
      %get3A_199 = vector.load %arg8[%get3A_197, %get3A_198] : memref<4x2048xf32, #tpu.memory_space<vmem>>, vector<1x2048xf32>
      %add3A_200 = arith.addf %add3A_196, %get3A_199 : vector<1x2048xf32>
      %convert_element_type3A_201 = arith.fptosi %add3A_200 : vector<1x2048xf32> to vector<1x2048xi32>
      %add3A_202 = vector.broadcast %mul3A_0 : i32 to vector<1x2048xi32>
      %add3A_203 = arith.addi %convert_element_type3A_201, %add3A_202 : vector<1x2048xi32>
      %mul3A_204 = arith.constant 2048 : i32
      %mul3A_205 = arith.muli %scan3A_168, %mul3A_204 : i32
      %swap3A_206 = arith.constant 0 : index
      %swap3A_207 = arith.constant 0 : index
      %swap3A_208 = arith.index_cast %mul3A_205 : i32 to index
      %swap3A_209 = vector.load %arg4[%swap3A_206, %swap3A_207, %swap3A_208] : memref<1x1x8192xi32, #tpu.memory_space<vmem>>, vector<1x1x2048xi32>
      %swap3A_210 = vector.shape_cast %swap3A_209 : vector<1x1x2048xi32> to vector<1x2048xi32>
      %swap3A_211 = vector.shape_cast %add3A_203 : vector<1x2048xi32> to vector<1x1x2048xi32>
      tpu.vector_store %arg4[%swap3A_206, %swap3A_207, %swap3A_208], %swap3A_211 {strides = array<i32>} : memref<1x1x8192xi32, #tpu.memory_space<vmem>>, vector<1x1x2048xi32>,
      %shift_right_logical3A_212 = arith.constant 7 : i32
      %shift_right_logical3A_213 = vector.broadcast %shift_right_logical3A_212 : i32 to vector<1x2048xi32>
      %shift_right_logical3A_214 = arith.shrui %convert_element_type3A_201, %shift_right_logical3A_213 : vector<1x2048xi32>
      %and3A_215 = arith.constant 127 : i32
      %and3A_216 = vector.broadcast %and3A_215 : i32 to vector<1x2048xi32>
      %and3A_217 = arith.andi %convert_element_type3A_201, %and3A_216 : vector<1x2048xi32>
      %eq3A_218 = vector.broadcast %iota3A_21 : vector<64x1xi32> to vector<64x2048xi32>
      %eq3A_219 = vector.broadcast %shift_right_logical3A_214 : vector<1x2048xi32> to vector<64x2048xi32>
      %eq3A_220 = arith.cmpi eq, %eq3A_218, %eq3A_219 : vector<64x2048xi32>
      %convert_element_type3A_221 = arith.extui %eq3A_220 : vector<64x2048xi1> to vector<64x2048xi32>
      %convert_element_type3A_222 = arith.sitofp %convert_element_type3A_221 : vector<64x2048xi32> to vector<64x2048xf32>
      %eq3A_223 = vector.broadcast %iota3A_22 : vector<128x1xi32> to vector<128x2048xi32>
      %eq3A_224 = vector.broadcast %and3A_217 : vector<1x2048xi32> to vector<128x2048xi32>
      %eq3A_225 = arith.cmpi eq, %eq3A_223, %eq3A_224 : vector<128x2048xi32>
      %convert_element_type3A_226 = arith.extui %eq3A_225 : vector<128x2048xi1> to vector<128x2048xi32>
      %convert_element_type3A_227 = arith.sitofp %convert_element_type3A_226 : vector<128x2048xi32> to vector<128x2048xf32>
      %and3A_228 = arith.constant 127 : i32
      %and3A_229 = vector.broadcast %and3A_228 : i32 to vector<1x2048xi32>
      %and3A_230 = arith.andi %iota3A_23, %and3A_229 : vector<1x2048xi32>
      %convert_element_type3A_231 = arith.sitofp %and3A_230 : vector<1x2048xi32> to vector<1x2048xf32>
      %shift_right_logical3A_232 = arith.constant 7 : i32
      %shift_right_logical3A_233 = vector.broadcast %shift_right_logical3A_232 : i32 to vector<1x2048xi32>
      %shift_right_logical3A_234 = arith.shrui %iota3A_23, %shift_right_logical3A_233 : vector<1x2048xi32>
      %mul3A_235 = arith.constant 16 : i32
      %mul3A_236 = arith.muli %scan3A_168, %mul3A_235 : i32
      %add3A_237 = vector.broadcast %mul3A_236 : i32 to vector<1x2048xi32>
      %add3A_238 = arith.addi %shift_right_logical3A_234, %add3A_237 : vector<1x2048xi32>
      %convert_element_type3A_239 = arith.sitofp %add3A_238 : vector<1x2048xi32> to vector<1x2048xf32>
      %mul3A_240 = vector.broadcast %convert_element_type3A_231 : vector<1x2048xf32> to vector<64x2048xf32>
      %mul3A_241 = arith.mulf %convert_element_type3A_222, %mul3A_240 : vector<64x2048xf32>
      %dot_general3A_242 = arith.constant dense<0.000000e+00> : vector<64x128xf32>
      %dot_general3A_243 = tpu.matmul %mul3A_241, %convert_element_type3A_227, %dot_general3A_242 {dimension_numbers = #tpu.dot_dimension_numbers<[1], [1], [0], [0], [0, 0, 1, 0], [], []>, transpose_lhs_hint = false} : vector<64x2048xf32>, vector<128x2048xf32>, vector<64x128xf32> -> vector<64x128xf32>
      %mul3A_244 = vector.broadcast %convert_element_type3A_239 : vector<1x2048xf32> to vector<64x2048xf32>
      %mul3A_245 = arith.mulf %convert_element_type3A_222, %mul3A_244 : vector<64x2048xf32>
      %dot_general3A_246 = arith.constant dense<0.000000e+00> : vector<64x128xf32>
      %dot_general3A_247 = tpu.matmul %mul3A_245, %convert_element_type3A_227, %dot_general3A_246 {dimension_numbers = #tpu.dot_dimension_numbers<[1], [1], [0], [0], [0, 0, 1, 0], [], []>, transpose_lhs_hint = false} : vector<64x2048xf32>, vector<128x2048xf32>, vector<64x128xf32> -> vector<64x128xf32>
      %get3A_248 = arith.constant 0 : index
      %get3A_249 = arith.constant 0 : index
      %get3A_250 = vector.load %arg11[%get3A_248, %get3A_249] : memref<64x128xf32, #tpu.memory_space<vmem>>, vector<64x128xf32>
      %add3A_251 = arith.addf %get3A_250, %dot_general3A_243 : vector<64x128xf32>
      %mul3A_252 = arith.constant 1.280000e+02 : f32
      %mul3A_253 = vector.broadcast %mul3A_252 : f32 to vector<64x128xf32>
      %mul3A_254 = arith.mulf %mul3A_253, %dot_general3A_247 : vector<64x128xf32>
      %add3A_255 = arith.addf %add3A_251, %mul3A_254 : vector<64x128xf32>
      %swap3A_256 = arith.constant 0 : index
      %swap3A_257 = arith.constant 0 : index
      %swap3A_258 = vector.load %arg11[%swap3A_256, %swap3A_257] : memref<64x128xf32, #tpu.memory_space<vmem>>, vector<64x128xf32>
      tpu.vector_store %arg11[%swap3A_256, %swap3A_257], %add3A_255 {strides = array<i32>} : memref<64x128xf32, #tpu.memory_space<vmem>>, vector<64x128xf32>,
    }
    %scan3A_81 = arith.constant 4 : i32
    %get3A_82 = arith.constant 0 : index
    %get3A_83 = arith.constant 0 : index
    %get3A_84 = vector.load %arg11[%get3A_82, %get3A_83] : memref<64x128xf32, #tpu.memory_space<vmem>>, vector<64x128xf32>
    %convert_element_type3A_85 = arith.fptosi %get3A_84 : vector<64x128xf32> to vector<64x128xi32>
    %add3A_86 = vector.broadcast %mul3A_0 : i32 to vector<64x128xi32>
    %add3A_87 = arith.addi %convert_element_type3A_85, %add3A_86 : vector<64x128xi32>
    %swap3A_88 = arith.constant 0 : index
    %swap3A_89 = arith.constant 0 : index
    %swap3A_90 = arith.constant 0 : index
    %swap3A_91 = vector.load %arg5[%swap3A_88, %swap3A_89, %swap3A_90] : memref<1x64x128xi32, #tpu.memory_space<vmem>>, vector<1x64x128xi32>
    %swap3A_92 = vector.shape_cast %swap3A_91 : vector<1x64x128xi32> to vector<64x128xi32>
    %swap3A_93 = vector.shape_cast %add3A_87 : vector<64x128xi32> to vector<1x64x128xi32>
    tpu.vector_store %arg5[%swap3A_88, %swap3A_89, %swap3A_90], %swap3A_93 {strides = array<i32>} : memref<1x64x128xi32, #tpu.memory_space<vmem>>, vector<1x64x128xi32>,
    %scan3A_94 = arith.constant 0 : i32
    %scan3A_95 = arith.constant 4 : i32
    %scan3A_96 = arith.addi %scan3A_94, %scan3A_95 : i32
    %scan3A_97 = arith.constant 1 : i32
    scf.for %scan3A_168 = %scan3A_94 to %scan3A_96 step %scan3A_97  : i32 {
      %mul3A_169 = arith.constant 2048 : i32
      %mul3A_170 = arith.muli %scan3A_168, %mul3A_169 : i32
      %get3A_171 = arith.constant 0 : index
      %get3A_172 = arith.index_cast %mul3A_170 : i32 to index
      %get3A_173 = arith.constant 0 : index
      %get3A_174 = vector.load %arg2[%get3A_171, %get3A_172, %get3A_173] : memref<1x8192x64xf32, #tpu.memory_space<vmem>>, vector<1x2048x64xf32>
      %get3A_175 = vector.shape_cast %get3A_174 : vector<1x2048x64xf32> to vector<2048x64xf32>
      %dot_general3A_176 = arith.constant dense<0.000000e+00> : vector<2048x128xf32>
      %dot_general3A_177 = tpu.matmul %get3A_175, %get3A_20, %dot_general3A_176 {dimension_numbers = #tpu.dot_dimension_numbers<[1], [0], [0], [1], [0, 0, 1, 1], [], []>, transpose_lhs_hint = false} : vector<2048x64xf32>, vector<64x128xf32>, vector<2048x128xf32> -> vector<2048x128xf32>
      %gt3A = arith.constant 0.000000e+00 : f32
      %gt3A_178 = vector.broadcast %gt3A : f32 to vector<2048x128xf32>
      %gt3A_179 = arith.cmpf ogt, %dot_general3A_177, %gt3A_178 : vector<2048x128xf32>
      %convert_element_type3A_180 = arith.extui %gt3A_179 : vector<2048x128xi1> to vector<2048x128xi32>
      %convert_element_type3A_181 = arith.sitofp %convert_element_type3A_180 : vector<2048x128xi32> to vector<2048x128xf32>
      %dot_general3A_182 = arith.constant dense<0.000000e+00> : vector<1x2048xf32>
      %dot_general3A_183 = tpu.matmul %convert_element_type3A, %convert_element_type3A_181, %dot_general3A_182 {dimension_numbers = #tpu.dot_dimension_numbers<[1], [1], [0], [0], [0, 0, 1, 0], [], []>, transpose_lhs_hint = false} : vector<1x128xf32>, vector<2048x128xf32>, vector<1x2048xf32> -> vector<1x2048xf32>
      %convert_element_type3A_184 = arith.fptosi %dot_general3A_183 : vector<1x2048xf32> to vector<1x2048xi32>
      %shift_right_logical3A_185 = arith.constant 1 : i32
      %shift_right_logical3A_186 = vector.broadcast %shift_right_logical3A_185 : i32 to vector<1x2048xi32>
      %shift_right_logical3A_187 = arith.shrui %convert_element_type3A_184, %shift_right_logical3A_186 : vector<1x2048xi32>
      %xor3A = arith.xori %convert_element_type3A_184, %shift_right_logical3A_187 : vector<1x2048xi32>
      %swap3A_188 = arith.index_cast %scan3A_168 : i32 to index
      %swap3A_189 = arith.constant 0 : index
      %swap3A_190 = vector.load %arg7[%swap3A_188, %swap3A_189] : memref<4x2048xi32, #tpu.memory_space<vmem>>, vector<1x2048xi32>
      tpu.vector_store %arg7[%swap3A_188, %swap3A_189], %xor3A {strides = array<i32>} : memref<4x2048xi32, #tpu.memory_space<vmem>>, vector<1x2048xi32>,
      %eq3A = vector.broadcast %iota3A_13 : vector<256x1xi32> to vector<256x2048xi32>
      %eq3A_191 = vector.broadcast %xor3A : vector<1x2048xi32> to vector<256x2048xi32>
      %eq3A_192 = arith.cmpi eq, %eq3A, %eq3A_191 : vector<256x2048xi32>
      %convert_element_type3A_193 = arith.extui %eq3A_192 : vector<256x2048xi1> to vector<256x2048xi32>
      %convert_element_type3A_194 = arith.sitofp %convert_element_type3A_193 : vector<256x2048xi32> to vector<256x2048xf32>
      %convert_element_type3A_195 = arith.truncf %convert_element_type3A_194 : vector<256x2048xf32> to vector<256x2048xbf16>
      %dot_general3A_196 = arith.constant dense<0.000000e+00> : vector<256x2048xf32>
      %dot_general3A_197 = tpu.matmul %convert_element_type3A_195, %convert_element_type3A_12, %dot_general3A_196 {dimension_numbers = #tpu.dot_dimension_numbers<[1], [0], [0], [1], [0, 0, 1, 1], [], []>, transpose_lhs_hint = false} : vector<256x2048xbf16>, vector<2048x2048xbf16>, vector<256x2048xf32> -> vector<256x2048xf32>
      %mul3A_198 = arith.mulf %convert_element_type3A_194, %dot_general3A_197 : vector<256x2048xf32>
      %reduce_sum3A = arith.constant dense<0.000000e+00> : vector<2048xf32>
      %reduce_sum3A_199 = vector.multi_reduction <add>, %mul3A_198, %reduce_sum3A [0] : vector<256x2048xf32> to vector<2048xf32>
      %broadcast_in_dim3A_200 = vector.shape_cast %reduce_sum3A_199 : vector<2048xf32> to vector<1x2048xf32>
      %swap3A_201 = arith.index_cast %scan3A_168 : i32 to index
      %swap3A_202 = arith.constant 0 : index
      %swap3A_203 = vector.load %arg8[%swap3A_201, %swap3A_202] : memref<4x2048xf32, #tpu.memory_space<vmem>>, vector<1x2048xf32>
      tpu.vector_store %arg8[%swap3A_201, %swap3A_202], %broadcast_in_dim3A_200 {strides = array<i32>} : memref<4x2048xf32, #tpu.memory_space<vmem>>, vector<1x2048xf32>,
      %dot_general3A_204 = arith.constant dense<0.000000e+00> : vector<1x256xf32>
      %dot_general3A_205 = tpu.matmul %broadcast_in_dim3A_25, %convert_element_type3A_194, %dot_general3A_204 {dimension_numbers = #tpu.dot_dimension_numbers<[1], [1], [0], [0], [0, 0, 1, 0], [], []>, transpose_lhs_hint = false} : vector<1x2048xf32>, vector<256x2048xf32>, vector<1x256xf32> -> vector<1x256xf32>
      %swap3A_206 = arith.index_cast %scan3A_168 : i32 to index
      %swap3A_207 = arith.constant 0 : index
      %swap3A_208 = vector.load %arg9[%swap3A_206, %swap3A_207] : memref<4x256xf32, #tpu.memory_space<vmem>>, vector<1x256xf32>
      tpu.vector_store %arg9[%swap3A_206, %swap3A_207], %dot_general3A_205 {strides = array<i32>} : memref<4x256xf32, #tpu.memory_space<vmem>>, vector<1x256xf32>,
    }
    %scan3A_98 = arith.constant 4 : i32
    %broadcast_in_dim3A_99 = arith.constant 0.000000e+00 : f32
    %broadcast_in_dim3A_100 = vector.broadcast %broadcast_in_dim3A_99 : f32 to vector<1x256xf32>
    %swap3A_101 = arith.constant 0 : index
    %swap3A_102 = arith.constant 0 : index
    %swap3A_103 = vector.load %arg10[%swap3A_101, %swap3A_102] : memref<4x256xf32, #tpu.memory_space<vmem>>, vector<1x256xf32>
    tpu.vector_store %arg10[%swap3A_101, %swap3A_102], %broadcast_in_dim3A_100 {strides = array<i32>} : memref<4x256xf32, #tpu.memory_space<vmem>>, vector<1x256xf32>,
    %get3A_104 = arith.constant 0 : index
    %get3A_105 = arith.constant 0 : index
    %get3A_106 = vector.load %arg9[%get3A_104, %get3A_105] : memref<4x256xf32, #tpu.memory_space<vmem>>, vector<1x256xf32>
    %add3A_107 = arith.addf %broadcast_in_dim3A_100, %get3A_106 : vector<1x256xf32>
    %swap3A_108 = arith.constant 1 : index
    %swap3A_109 = arith.constant 0 : index
    %swap3A_110 = vector.load %arg10[%swap3A_108, %swap3A_109] : memref<4x256xf32, #tpu.memory_space<vmem>>, vector<1x256xf32>
    tpu.vector_store %arg10[%swap3A_108, %swap3A_109], %add3A_107 {strides = array<i32>} : memref<4x256xf32, #tpu.memory_space<vmem>>, vector<1x256xf32>,
    %get3A_111 = arith.constant 1 : index
    %get3A_112 = arith.constant 0 : index
    %get3A_113 = vector.load %arg9[%get3A_111, %get3A_112] : memref<4x256xf32, #tpu.memory_space<vmem>>, vector<1x256xf32>
    %add3A_114 = arith.addf %add3A_107, %get3A_113 : vector<1x256xf32>
    %swap3A_115 = arith.constant 2 : index
    %swap3A_116 = arith.constant 0 : index
    %swap3A_117 = vector.load %arg10[%swap3A_115, %swap3A_116] : memref<4x256xf32, #tpu.memory_space<vmem>>, vector<1x256xf32>
    tpu.vector_store %arg10[%swap3A_115, %swap3A_116], %add3A_114 {strides = array<i32>} : memref<4x256xf32, #tpu.memory_space<vmem>>, vector<1x256xf32>,
    %get3A_118 = arith.constant 2 : index
    %get3A_119 = arith.constant 0 : index
    %get3A_120 = vector.load %arg9[%get3A_118, %get3A_119] : memref<4x256xf32, #tpu.memory_space<vmem>>, vector<1x256xf32>
    %add3A_121 = arith.addf %add3A_114, %get3A_120 : vector<1x256xf32>
    %swap3A_122 = arith.constant 3 : index
    %swap3A_123 = arith.constant 0 : index
    %swap3A_124 = vector.load %arg10[%swap3A_122, %swap3A_123] : memref<4x256xf32, #tpu.memory_space<vmem>>, vector<1x256xf32>
    tpu.vector_store %arg10[%swap3A_122, %swap3A_123], %add3A_121 {strides = array<i32>} : memref<4x256xf32, #tpu.memory_space<vmem>>, vector<1x256xf32>,
    %get3A_125 = arith.constant 3 : index
    %get3A_126 = arith.constant 0 : index
    %get3A_127 = vector.load %arg9[%get3A_125, %get3A_126] : memref<4x256xf32, #tpu.memory_space<vmem>>, vector<1x256xf32>
    %add3A_128 = arith.addf %add3A_121, %get3A_127 : vector<1x256xf32>
    %convert_element_type3A_129 = arith.fptosi %add3A_128 : vector<1x256xf32> to vector<1x256xi32>
    %shift_right_logical3A_130 = arith.constant 8 : i32
    %shift_right_logical3A_131 = vector.broadcast %shift_right_logical3A_130 : i32 to vector<1x256xi32>
    %shift_right_logical3A_132 = arith.shrui %convert_element_type3A_129, %shift_right_logical3A_131 : vector<1x256xi32>
    %convert_element_type3A_133 = arith.sitofp %shift_right_logical3A_132 : vector<1x256xi32> to vector<1x256xf32>
    %and3A_134 = arith.constant 255 : i32
    %and3A_135 = vector.broadcast %and3A_134 : i32 to vector<1x256xi32>
    %and3A_136 = arith.andi %convert_element_type3A_129, %and3A_135 : vector<1x256xi32>
    %convert_element_type3A_137 = arith.sitofp %and3A_136 : vector<1x256xi32> to vector<1x256xf32>
    %dot_general3A_138 = arith.constant dense<0.000000e+00> : vector<1x256xf32>
    %dot_general3A_139 = tpu.matmul %convert_element_type3A_133, %convert_element_type3A_18, %dot_general3A_138 {dimension_numbers = #tpu.dot_dimension_numbers<[1], [0], [0], [1], [0, 0, 1, 1], [], []>, transpose_lhs_hint = false} : vector<1x256xf32>, vector<256x256xf32>, vector<1x256xf32> -> vector<1x256xf32>
    %mul3A_140 = arith.constant 2.560000e+02 : f32
    %mul3A_141 = vector.broadcast %mul3A_140 : f32 to vector<1x256xf32>
    %mul3A_142 = arith.mulf %mul3A_141, %dot_general3A_139 : vector<1x256xf32>
    %dot_general3A_143 = arith.constant dense<0.000000e+00> : vector<1x256xf32>
    %dot_general3A_144 = tpu.matmul %convert_element_type3A_137, %convert_element_type3A_18, %dot_general3A_143 {dimension_numbers = #tpu.dot_dimension_numbers<[1], [0], [0], [1], [0, 0, 1, 1], [], []>, transpose_lhs_hint = false} : vector<1x256xf32>, vector<256x256xf32>, vector<1x256xf32> -> vector<1x256xf32>
    %add3A_145 = arith.addf %mul3A_142, %dot_general3A_144 : vector<1x256xf32>
    %broadcast_in_dim3A_146 = arith.constant 0.000000e+00 : f32
    %broadcast_in_dim3A_147 = vector.broadcast %broadcast_in_dim3A_146 : f32 to vector<64x128xf32>
    %swap3A_148 = arith.constant 0 : index
    %swap3A_149 = arith.constant 0 : index
    %swap3A_150 = vector.load %arg11[%swap3A_148, %swap3A_149] : memref<64x128xf32, #tpu.memory_space<vmem>>, vector<64x128xf32>
    tpu.vector_store %arg11[%swap3A_148, %swap3A_149], %broadcast_in_dim3A_147 {strides = array<i32>} : memref<64x128xf32, #tpu.memory_space<vmem>>, vector<64x128xf32>,
    %scan3A_151 = arith.constant 0 : i32
    %scan3A_152 = arith.constant 4 : i32
    %scan3A_153 = arith.addi %scan3A_151, %scan3A_152 : i32
    %scan3A_154 = arith.constant 1 : i32
    scf.for %scan3A_168 = %scan3A_151 to %scan3A_153 step %scan3A_154  : i32 {
      %get3A_169 = arith.index_cast %scan3A_168 : i32 to index
      %get3A_170 = arith.constant 0 : index
      %get3A_171 = vector.load %arg7[%get3A_169, %get3A_170] : memref<4x2048xi32, #tpu.memory_space<vmem>>, vector<1x2048xi32>
      %eq3A = vector.broadcast %iota3A_13 : vector<256x1xi32> to vector<256x2048xi32>
      %eq3A_172 = vector.broadcast %get3A_171 : vector<1x2048xi32> to vector<256x2048xi32>
      %eq3A_173 = arith.cmpi eq, %eq3A, %eq3A_172 : vector<256x2048xi32>
      %convert_element_type3A_174 = arith.extui %eq3A_173 : vector<256x2048xi1> to vector<256x2048xi32>
      %convert_element_type3A_175 = arith.sitofp %convert_element_type3A_174 : vector<256x2048xi32> to vector<256x2048xf32>
      %get3A_176 = arith.index_cast %scan3A_168 : i32 to index
      %get3A_177 = arith.constant 0 : index
      %get3A_178 = vector.load %arg10[%get3A_176, %get3A_177] : memref<4x256xf32, #tpu.memory_space<vmem>>, vector<1x256xf32>
      %add3A_179 = arith.addf %add3A_145, %get3A_178 : vector<1x256xf32>
      %convert_element_type3A_180 = arith.fptosi %add3A_179 : vector<1x256xf32> to vector<1x256xi32>
      %shift_right_logical3A_181 = arith.constant 8 : i32
      %shift_right_logical3A_182 = vector.broadcast %shift_right_logical3A_181 : i32 to vector<1x256xi32>
      %shift_right_logical3A_183 = arith.shrui %convert_element_type3A_180, %shift_right_logical3A_182 : vector<1x256xi32>
      %convert_element_type3A_184 = arith.sitofp %shift_right_logical3A_183 : vector<1x256xi32> to vector<1x256xf32>
      %and3A_185 = arith.constant 255 : i32
      %and3A_186 = vector.broadcast %and3A_185 : i32 to vector<1x256xi32>
      %and3A_187 = arith.andi %convert_element_type3A_180, %and3A_186 : vector<1x256xi32>
      %convert_element_type3A_188 = arith.sitofp %and3A_187 : vector<1x256xi32> to vector<1x256xf32>
      %dot_general3A_189 = arith.constant dense<0.000000e+00> : vector<1x2048xf32>
      %dot_general3A_190 = tpu.matmul %convert_element_type3A_184, %convert_element_type3A_175, %dot_general3A_189 {dimension_numbers = #tpu.dot_dimension_numbers<[1], [0], [0], [1], [0, 0, 1, 1], [], []>, transpose_lhs_hint = false} : vector<1x256xf32>, vector<256x2048xf32>, vector<1x2048xf32> -> vector<1x2048xf32>
      %mul3A_191 = arith.constant 2.560000e+02 : f32
      %mul3A_192 = vector.broadcast %mul3A_191 : f32 to vector<1x2048xf32>
      %mul3A_193 = arith.mulf %mul3A_192, %dot_general3A_190 : vector<1x2048xf32>
      %dot_general3A_194 = arith.constant dense<0.000000e+00> : vector<1x2048xf32>
      %dot_general3A_195 = tpu.matmul %convert_element_type3A_188, %convert_element_type3A_175, %dot_general3A_194 {dimension_numbers = #tpu.dot_dimension_numbers<[1], [0], [0], [1], [0, 0, 1, 1], [], []>, transpose_lhs_hint = false} : vector<1x256xf32>, vector<256x2048xf32>, vector<1x2048xf32> -> vector<1x2048xf32>
      %add3A_196 = arith.addf %mul3A_193, %dot_general3A_195 : vector<1x2048xf32>
      %get3A_197 = arith.index_cast %scan3A_168 : i32 to index
      %get3A_198 = arith.constant 0 : index
      %get3A_199 = vector.load %arg8[%get3A_197, %get3A_198] : memref<4x2048xf32, #tpu.memory_space<vmem>>, vector<1x2048xf32>
      %add3A_200 = arith.addf %add3A_196, %get3A_199 : vector<1x2048xf32>
      %convert_element_type3A_201 = arith.fptosi %add3A_200 : vector<1x2048xf32> to vector<1x2048xi32>
      %shift_right_logical3A_202 = arith.constant 7 : i32
      %shift_right_logical3A_203 = vector.broadcast %shift_right_logical3A_202 : i32 to vector<1x2048xi32>
      %shift_right_logical3A_204 = arith.shrui %convert_element_type3A_201, %shift_right_logical3A_203 : vector<1x2048xi32>
      %and3A_205 = arith.constant 127 : i32
      %and3A_206 = vector.broadcast %and3A_205 : i32 to vector<1x2048xi32>
      %and3A_207 = arith.andi %convert_element_type3A_201, %and3A_206 : vector<1x2048xi32>
      %eq3A_208 = vector.broadcast %iota3A_21 : vector<64x1xi32> to vector<64x2048xi32>
      %eq3A_209 = vector.broadcast %shift_right_logical3A_204 : vector<1x2048xi32> to vector<64x2048xi32>
      %eq3A_210 = arith.cmpi eq, %eq3A_208, %eq3A_209 : vector<64x2048xi32>
      %convert_element_type3A_211 = arith.extui %eq3A_210 : vector<64x2048xi1> to vector<64x2048xi32>
      %convert_element_type3A_212 = arith.sitofp %convert_element_type3A_211 : vector<64x2048xi32> to vector<64x2048xf32>
      %eq3A_213 = vector.broadcast %iota3A_22 : vector<128x1xi32> to vector<128x2048xi32>
      %eq3A_214 = vector.broadcast %and3A_207 : vector<1x2048xi32> to vector<128x2048xi32>
      %eq3A_215 = arith.cmpi eq, %eq3A_213, %eq3A_214 : vector<128x2048xi32>
      %convert_element_type3A_216 = arith.extui %eq3A_215 : vector<128x2048xi1> to vector<128x2048xi32>
      %convert_element_type3A_217 = arith.sitofp %convert_element_type3A_216 : vector<128x2048xi32> to vector<128x2048xf32>
      %and3A_218 = arith.constant 127 : i32
      %and3A_219 = vector.broadcast %and3A_218 : i32 to vector<1x2048xi32>
      %and3A_220 = arith.andi %iota3A_23, %and3A_219 : vector<1x2048xi32>
      %convert_element_type3A_221 = arith.sitofp %and3A_220 : vector<1x2048xi32> to vector<1x2048xf32>
      %shift_right_logical3A_222 = arith.constant 7 : i32
      %shift_right_logical3A_223 = vector.broadcast %shift_right_logical3A_222 : i32 to vector<1x2048xi32>
      %shift_right_logical3A_224 = arith.shrui %iota3A_23, %shift_right_logical3A_223 : vector<1x2048xi32>
      %mul3A_225 = arith.constant 16 : i32
      %mul3A_226 = arith.muli %scan3A_168, %mul3A_225 : i32
      %add3A_227 = vector.broadcast %mul3A_226 : i32 to vector<1x2048xi32>
      %add3A_228 = arith.addi %shift_right_logical3A_224, %add3A_227 : vector<1x2048xi32>
      %convert_element_type3A_229 = arith.sitofp %add3A_228 : vector<1x2048xi32> to vector<1x2048xf32>
      %mul3A_230 = vector.broadcast %convert_element_type3A_221 : vector<1x2048xf32> to vector<64x2048xf32>
      %mul3A_231 = arith.mulf %convert_element_type3A_212, %mul3A_230 : vector<64x2048xf32>
      %dot_general3A_232 = arith.constant dense<0.000000e+00> : vector<64x128xf32>
      %dot_general3A_233 = tpu.matmul %mul3A_231, %convert_element_type3A_217, %dot_general3A_232 {dimension_numbers = #tpu.dot_dimension_numbers<[1], [1], [0], [0], [0, 0, 1, 0], [], []>, transpose_lhs_hint = false} : vector<64x2048xf32>, vector<128x2048xf32>, vector<64x128xf32> -> vector<64x128xf32>
      %mul3A_234 = vector.broadcast %convert_element_type3A_229 : vector<1x2048xf32> to vector<64x2048xf32>
      %mul3A_235 = arith.mulf %convert_element_type3A_212, %mul3A_234 : vector<64x2048xf32>
      %dot_general3A_236 = arith.constant dense<0.000000e+00> : vector<64x128xf32>
      %dot_general3A_237 = tpu.matmul %mul3A_235, %convert_element_type3A_217, %dot_general3A_236 {dimension_numbers = #tpu.dot_dimension_numbers<[1], [1], [0], [0], [0, 0, 1, 0], [], []>, transpose_lhs_hint = false} : vector<64x2048xf32>, vector<128x2048xf32>, vector<64x128xf32> -> vector<64x128xf32>
      %get3A_238 = arith.constant 0 : index
      %get3A_239 = arith.constant 0 : index
      %get3A_240 = vector.load %arg11[%get3A_238, %get3A_239] : memref<64x128xf32, #tpu.memory_space<vmem>>, vector<64x128xf32>
      %add3A_241 = arith.addf %get3A_240, %dot_general3A_233 : vector<64x128xf32>
      %mul3A_242 = arith.constant 1.280000e+02 : f32
      %mul3A_243 = vector.broadcast %mul3A_242 : f32 to vector<64x128xf32>
      %mul3A_244 = arith.mulf %mul3A_243, %dot_general3A_237 : vector<64x128xf32>
      %add3A_245 = arith.addf %add3A_241, %mul3A_244 : vector<64x128xf32>
      %swap3A_246 = arith.constant 0 : index
      %swap3A_247 = arith.constant 0 : index
      %swap3A_248 = vector.load %arg11[%swap3A_246, %swap3A_247] : memref<64x128xf32, #tpu.memory_space<vmem>>, vector<64x128xf32>
      tpu.vector_store %arg11[%swap3A_246, %swap3A_247], %add3A_245 {strides = array<i32>} : memref<64x128xf32, #tpu.memory_space<vmem>>, vector<64x128xf32>,
    }
    %scan3A_155 = arith.constant 4 : i32
    %get3A_156 = arith.constant 0 : index
    %get3A_157 = arith.constant 0 : index
    %get3A_158 = vector.load %arg11[%get3A_156, %get3A_157] : memref<64x128xf32, #tpu.memory_space<vmem>>, vector<64x128xf32>
    %convert_element_type3A_159 = arith.fptosi %get3A_158 : vector<64x128xf32> to vector<64x128xi32>
    %add3A_160 = vector.broadcast %mul3A_0 : i32 to vector<64x128xi32>
    %add3A_161 = arith.addi %convert_element_type3A_159, %add3A_160 : vector<64x128xi32>
    %swap3A_162 = arith.constant 0 : index
    %swap3A_163 = arith.constant 0 : index
    %swap3A_164 = arith.constant 0 : index
    %swap3A_165 = vector.load %arg6[%swap3A_162, %swap3A_163, %swap3A_164] : memref<1x64x128xi32, #tpu.memory_space<vmem>>, vector<1x64x128xi32>
    %swap3A_166 = vector.shape_cast %swap3A_165 : vector<1x64x128xi32> to vector<64x128xi32>
    %swap3A_167 = vector.shape_cast %add3A_161 : vector<64x128xi32> to vector<1x64x128xi32>
    tpu.vector_store %arg6[%swap3A_162, %swap3A_163, %swap3A_164], %swap3A_167 {strides = array<i32>} : memref<1x64x128xi32, #tpu.memory_space<vmem>>, vector<1x64x128xi32>,
    return
  }
  func.func @transform_0(%arg0: i32) -> (i32, i32, i32) {
    %c0_i32 = arith.constant 0 : i32
    %c0_i32_0 = arith.constant 0 : i32
    %c0_i32_1 = arith.constant 0 : i32
    return %arg0, %c0_i32, %c0_i32_0 : i32, i32, i32
  }
  func.func @transform_1(%arg0: i32) -> (i32, i32, i32) {
    %c0_i32 = arith.constant 0 : i32
    %c0_i32_0 = arith.constant 0 : i32
    %c0_i32_1 = arith.constant 0 : i32
    return %arg0, %c0_i32, %c0_i32_0 : i32, i32, i32
  }
  func.func @transform_2(%arg0: i32) -> (i32, i32) {
    %c0_i32 = arith.constant 0 : i32
    %c0_i32_0 = arith.constant 0 : i32
    %c0_i32_1 = arith.constant 0 : i32
    return %c0_i32, %c0_i32_0 : i32, i32
  }
  func.func @transform_3(%arg0: i32) -> (i32, i32, i32) {
    %c0_i32 = arith.constant 0 : i32
    %c0_i32_0 = arith.constant 0 : i32
    %c0_i32_1 = arith.constant 0 : i32
    return %arg0, %c0_i32, %c0_i32_0 : i32, i32, i32
  }
  func.func @transform_4(%arg0: i32) -> (i32, i32, i32) {
    %c0_i32 = arith.constant 0 : i32
    %c0_i32_0 = arith.constant 0 : i32
    %c0_i32_1 = arith.constant 0 : i32
    return %arg0, %c0_i32, %c0_i32_0 : i32, i32, i32
  }
  func.func @transform_5(%arg0: i32) -> (i32, i32, i32) {
    %c0_i32 = arith.constant 0 : i32
    %c0_i32_0 = arith.constant 0 : i32
    %c0_i32_1 = arith.constant 0 : i32
    return %arg0, %c0_i32, %c0_i32_0 : i32, i32, i32
  }
}

module attributes {stable_mosaic.version = 14 : i64} {
  func.func @_attn_body(%arg0: i32, %arg1: i32, %arg2: memref<1x128x128xf32, #tpu.memory_space<vmem>>, %arg3: memref<1x128x128xf32, #tpu.memory_space<vmem>>, %arg4: memref<1x128x128xf32, #tpu.memory_space<vmem>>, %arg5: memref<1x128x128xf32, #tpu.memory_space<vmem>>, %arg6: memref<1x128x128xf32, #tpu.memory_space<vmem>>, %arg7: memref<1x1x128xi32, #tpu.memory_space<vmem>>, %arg8: memref<1x128x128xf32, #tpu.memory_space<vmem>>) attributes {dimension_semantics = [#tpu.dimension_semantics<arbitrary>, #tpu.dimension_semantics<arbitrary>], iteration_bounds = array<i64: 32, 64>, scalar_prefetch = 0 : i64, scratch_operands = 0 : i64, tpu.core_type = #tpu.core_type<tc>, window_params = [{transform_indices = @transform_0, window_bounds = array<i64: 1, 128, 128>}, {transform_indices = @transform_1, window_bounds = array<i64: 1, 128, 128>}, {transform_indices = @transform_2, window_bounds = array<i64: 1, 128, 128>}, {transform_indices = @transform_3, window_bounds = array<i64: 1, 128, 128>}, {transform_indices = @transform_4, window_bounds = array<i64: 1, 128, 128>}, {transform_indices = @transform_5, window_bounds = array<i64: 1, 1, 128>}, {transform_indices = @transform_6, window_bounds = array<i64: 1, 128, 128>}]} {
    %get3A = arith.constant 0 : index
    %get3A_0 = arith.constant 0 : index
    %get3A_1 = arith.constant 0 : index
    %get3A_2 = vector.load %arg2[%get3A, %get3A_0, %get3A_1] : memref<1x128x128xf32, #tpu.memory_space<vmem>>, vector<1x128x128xf32>
    %get3A_3 = vector.shape_cast %get3A_2 : vector<1x128x128xf32> to vector<128x128xf32>
    %slice3A = vector.extract_strided_slice %get3A_3 {offsets = [0, 0], sizes = [128, 64], strides = [1, 1]} : vector<128x128xf32> to vector<128x64xf32>
    %get3A_4 = arith.constant 0 : index
    %get3A_5 = arith.constant 0 : index
    %get3A_6 = arith.constant 0 : index
    %get3A_7 = vector.load %arg3[%get3A_4, %get3A_5, %get3A_6] : memref<1x128x128xf32, #tpu.memory_space<vmem>>, vector<1x128x128xf32>
    %get3A_8 = vector.shape_cast %get3A_7 : vector<1x128x128xf32> to vector<128x128xf32>
    %slice3A_9 = vector.extract_strided_slice %get3A_8 {offsets = [0, 0], sizes = [128, 64], strides = [1, 1]} : vector<128x128xf32> to vector<128x64xf32>
    %get3A_10 = arith.constant 0 : index
    %get3A_11 = arith.constant 0 : index
    %get3A_12 = arith.constant 0 : index
    %get3A_13 = vector.load %arg4[%get3A_10, %get3A_11, %get3A_12] : memref<1x128x128xf32, #tpu.memory_space<vmem>>, vector<1x128x128xf32>
    %get3A_14 = vector.shape_cast %get3A_13 : vector<1x128x128xf32> to vector<128x128xf32>
    %slice3A_15 = vector.extract_strided_slice %get3A_14 {offsets = [0, 0], sizes = [128, 64], strides = [1, 1]} : vector<128x128xf32> to vector<128x64xf32>
    %dot_general3A = arith.constant dense<0.000000e+00> : vector<128x128xf32>
    %dot_general3A_16 = tpu.matmul %slice3A, %slice3A_9, %dot_general3A {dimension_numbers = #tpu.dot_dimension_numbers<[1], [1], [0], [0], [0, 0, 1, 0], [], []>, transpose_lhs_hint = false} : vector<128x64xf32>, vector<128x64xf32>, vector<128x128xf32> -> vector<128x128xf32>
    %mul3A = arith.constant 1.250000e-01 : f32
    %mul3A_17 = vector.broadcast %mul3A : f32 to vector<128x128xf32>
    %mul3A_18 = arith.mulf %dot_general3A_16, %mul3A_17 : vector<128x128xf32>
    %reduce_max3A = arith.constant dense<0xFF800000> : vector<128xf32>
    %reduce_max3A_19 = vector.multi_reduction <maximumf>, %mul3A_18, %reduce_max3A [1] : vector<128x128xf32> to vector<128xf32>
    %broadcast_in_dim3A = vector.shape_cast %reduce_max3A_19 : vector<128xf32> to vector<128x1xf32>
    %sub3A = vector.broadcast %broadcast_in_dim3A : vector<128x1xf32> to vector<128x128xf32>
    %sub3A_20 = arith.subf %mul3A_18, %sub3A : vector<128x128xf32>
    %exp3A = math.exp %sub3A_20 : vector<128x128xf32>
    %reduce_sum3A = arith.constant dense<0.000000e+00> : vector<128xf32>
    %reduce_sum3A_21 = vector.multi_reduction <add>, %exp3A, %reduce_sum3A [1] : vector<128x128xf32> to vector<128xf32>
    %broadcast_in_dim3A_22 = vector.shape_cast %reduce_sum3A_21 : vector<128xf32> to vector<128x1xf32>
    %dot_general3A_23 = arith.constant dense<0.000000e+00> : vector<128x64xf32>
    %dot_general3A_24 = tpu.matmul %exp3A, %slice3A_15, %dot_general3A_23 {dimension_numbers = #tpu.dot_dimension_numbers<[1], [0], [0], [1], [0, 0, 1, 1], [], []>, transpose_lhs_hint = false} : vector<128x128xf32>, vector<128x64xf32>, vector<128x64xf32> -> vector<128x64xf32>
    %log3A = math.log %broadcast_in_dim3A_22 : vector<128x1xf32>
    %add3A = arith.addf %broadcast_in_dim3A, %log3A : vector<128x1xf32>
    %get3A_25 = arith.constant 0 : index
    %get3A_26 = arith.constant 0 : index
    %get3A_27 = arith.constant 0 : index
    %get3A_28 = vector.load %arg5[%get3A_25, %get3A_26, %get3A_27] : memref<1x128x128xf32, #tpu.memory_space<vmem>>, vector<1x128x128xf32>
    %get3A_29 = vector.shape_cast %get3A_28 : vector<1x128x128xf32> to vector<128x128xf32>
    %slice3A_30 = vector.extract_strided_slice %get3A_29 {offsets = [0, 0], sizes = [128, 64], strides = [1, 1]} : vector<128x128xf32> to vector<128x64xf32>
    %get3A_31 = arith.constant 0 : index
    %get3A_32 = arith.constant 0 : index
    %get3A_33 = arith.constant 0 : index
    %get3A_34 = vector.load %arg6[%get3A_31, %get3A_32, %get3A_33] : memref<1x128x128xf32, #tpu.memory_space<vmem>>, vector<1x128x128xf32>
    %get3A_35 = vector.shape_cast %get3A_34 : vector<1x128x128xf32> to vector<128x128xf32>
    %slice3A_36 = vector.extract_strided_slice %get3A_35 {offsets = [0, 0], sizes = [128, 64], strides = [1, 1]} : vector<128x128xf32> to vector<128x64xf32>
    %dot_general3A_37 = arith.constant dense<0.000000e+00> : vector<128x128xf32>
    %dot_general3A_38 = tpu.matmul %slice3A, %slice3A_30, %dot_general3A_37 {dimension_numbers = #tpu.dot_dimension_numbers<[1], [1], [0], [0], [0, 0, 1, 0], [], []>, transpose_lhs_hint = false} : vector<128x64xf32>, vector<128x64xf32>, vector<128x128xf32> -> vector<128x128xf32>
    %mul3A_39 = arith.constant 1.250000e-01 : f32
    %mul3A_40 = vector.broadcast %mul3A_39 : f32 to vector<128x128xf32>
    %mul3A_41 = arith.mulf %dot_general3A_38, %mul3A_40 : vector<128x128xf32>
    %get3A_42 = arith.constant 0 : index
    %get3A_43 = arith.constant 0 : index
    %get3A_44 = arith.constant 0 : index
    %get3A_45 = vector.load %arg7[%get3A_42, %get3A_43, %get3A_44] : memref<1x1x128xi32, #tpu.memory_space<vmem>>, vector<1x1x128xi32>
    %get3A_46 = vector.shape_cast %get3A_45 : vector<1x1x128xi32> to vector<1x128xi32>
    %eq3A = vector.broadcast %arg1 : i32 to vector<1x128xi32>
    %eq3A_47 = arith.cmpi eq, %get3A_46, %eq3A : vector<1x128xi32>
    %jit3A = arith.constant -3.40282347E+38 : f32
    %jit3A_48 = arith.constant 0.000000e+00 : f32
    %broadcast_in_dim3A_49 = vector.broadcast %jit3A : f32 to vector<1x128xf32>
    %broadcast_in_dim3A_50 = vector.broadcast %jit3A_48 : f32 to vector<1x128xf32>
    %select_n3A = arith.select %eq3A_47, %broadcast_in_dim3A_49, %broadcast_in_dim3A_50 : vector<1x128xi1>, vector<1x128xf32>
    %add3A_51 = vector.broadcast %select_n3A : vector<1x128xf32> to vector<128x128xf32>
    %add3A_52 = arith.addf %mul3A_41, %add3A_51 : vector<128x128xf32>
    %reduce_max3A_53 = arith.constant dense<0xFF800000> : vector<128xf32>
    %reduce_max3A_54 = vector.multi_reduction <maximumf>, %add3A_52, %reduce_max3A_53 [1] : vector<128x128xf32> to vector<128xf32>
    %broadcast_in_dim3A_55 = vector.shape_cast %reduce_max3A_54 : vector<128xf32> to vector<128x1xf32>
    %sub3A_56 = vector.broadcast %broadcast_in_dim3A_55 : vector<128x1xf32> to vector<128x128xf32>
    %sub3A_57 = arith.subf %add3A_52, %sub3A_56 : vector<128x128xf32>
    %exp3A_58 = math.exp %sub3A_57 : vector<128x128xf32>
    %reduce_sum3A_59 = arith.constant dense<0.000000e+00> : vector<128xf32>
    %reduce_sum3A_60 = vector.multi_reduction <add>, %exp3A_58, %reduce_sum3A_59 [1] : vector<128x128xf32> to vector<128xf32>
    %broadcast_in_dim3A_61 = vector.shape_cast %reduce_sum3A_60 : vector<128xf32> to vector<128x1xf32>
    %dot_general3A_62 = arith.constant dense<0.000000e+00> : vector<128x64xf32>
    %dot_general3A_63 = tpu.matmul %exp3A_58, %slice3A_36, %dot_general3A_62 {dimension_numbers = #tpu.dot_dimension_numbers<[1], [0], [0], [1], [0, 0, 1, 1], [], []>, transpose_lhs_hint = false} : vector<128x128xf32>, vector<128x64xf32>, vector<128x64xf32> -> vector<128x64xf32>
    %log3A_64 = math.log %broadcast_in_dim3A_61 : vector<128x1xf32>
    %add3A_65 = arith.addf %broadcast_in_dim3A_55, %log3A_64 : vector<128x1xf32>
    %add3A_66 = arith.constant 4.15888309 : f32
    %add3A_67 = vector.broadcast %add3A_66 : f32 to vector<128x1xf32>
    %add3A_68 = arith.addf %add3A_65, %add3A_67 : vector<128x1xf32>
    %sub3A_69 = arith.subf %add3A_68, %add3A : vector<128x1xf32>
    %exp3A_70 = math.exp %sub3A_69 : vector<128x1xf32>
    %add3A_71 = arith.constant 1.000000e+00 : f32
    %add3A_72 = vector.broadcast %add3A_71 : f32 to vector<128x1xf32>
    %add3A_73 = arith.addf %add3A_72, %exp3A_70 : vector<128x1xf32>
    %div3A = arith.constant 1.000000e+00 : f32
    %div3A_74 = vector.broadcast %div3A : f32 to vector<128x1xf32>
    %div3A_75 = arith.divf %div3A_74, %add3A_73 : vector<128x1xf32>
    %neg3A = arith.constant 0.000000e+00 : f32
    %neg3A_76 = vector.broadcast %neg3A : f32 to vector<128x1xf32>
    %neg3A_77 = arith.subf %neg3A_76, %sub3A_69 : vector<128x1xf32>
    %exp3A_78 = math.exp %neg3A_77 : vector<128x1xf32>
    %add3A_79 = arith.constant 1.000000e+00 : f32
    %add3A_80 = vector.broadcast %add3A_79 : f32 to vector<128x1xf32>
    %add3A_81 = arith.addf %add3A_80, %exp3A_78 : vector<128x1xf32>
    %div3A_82 = arith.constant 1.000000e+00 : f32
    %div3A_83 = vector.broadcast %div3A_82 : f32 to vector<128x1xf32>
    %div3A_84 = arith.divf %div3A_83, %add3A_81 : vector<128x1xf32>
    %div3A_85 = vector.broadcast %broadcast_in_dim3A_22 : vector<128x1xf32> to vector<128x64xf32>
    %div3A_86 = arith.divf %dot_general3A_24, %div3A_85 : vector<128x64xf32>
    %mul3A_87 = vector.broadcast %div3A_75 : vector<128x1xf32> to vector<128x64xf32>
    %mul3A_88 = arith.mulf %mul3A_87, %div3A_86 : vector<128x64xf32>
    %div3A_89 = vector.broadcast %broadcast_in_dim3A_61 : vector<128x1xf32> to vector<128x64xf32>
    %div3A_90 = arith.divf %dot_general3A_63, %div3A_89 : vector<128x64xf32>
    %mul3A_91 = vector.broadcast %div3A_84 : vector<128x1xf32> to vector<128x64xf32>
    %mul3A_92 = arith.mulf %mul3A_91, %div3A_90 : vector<128x64xf32>
    %add3A_93 = arith.addf %mul3A_88, %mul3A_92 : vector<128x64xf32>
    %broadcast_in_dim3A_94 = arith.constant 0.000000e+00 : f32
    %broadcast_in_dim3A_95 = vector.broadcast %broadcast_in_dim3A_94 : f32 to vector<128x64xf32>
    %concatenate3A = tpu.concatenate %add3A_93, %broadcast_in_dim3A_95 in 1 : vector<128x64xf32>, vector<128x64xf32> -> vector<128x128xf32>
    %swap3A = arith.constant 0 : index
    %swap3A_96 = arith.constant 0 : index
    %swap3A_97 = arith.constant 0 : index
    %swap3A_98 = vector.load %arg8[%swap3A, %swap3A_96, %swap3A_97] : memref<1x128x128xf32, #tpu.memory_space<vmem>>, vector<1x128x128xf32>
    %swap3A_99 = vector.shape_cast %swap3A_98 : vector<1x128x128xf32> to vector<128x128xf32>
    %swap3A_100 = vector.shape_cast %concatenate3A : vector<128x128xf32> to vector<1x128x128xf32>
    tpu.vector_store %arg8[%swap3A, %swap3A_96, %swap3A_97], %swap3A_100 {strides = array<i32>} : memref<1x128x128xf32, #tpu.memory_space<vmem>>, vector<1x128x128xf32>,
    return
  }
  func.func @transform_0(%arg0: i32, %arg1: i32) -> (i32, i32, i32) {
    %c0_i32 = arith.constant 0 : i32
    %c0_i32_0 = arith.constant 0 : i32
    return %arg0, %arg1, %c0_i32 : i32, i32, i32
  }
  func.func @transform_1(%arg0: i32, %arg1: i32) -> (i32, i32, i32) {
    %c0_i32 = arith.constant 0 : i32
    %c0_i32_0 = arith.constant 0 : i32
    return %arg0, %arg1, %c0_i32 : i32, i32, i32
  }
  func.func @transform_2(%arg0: i32, %arg1: i32) -> (i32, i32, i32) {
    %c0_i32 = arith.constant 0 : i32
    %c0_i32_0 = arith.constant 0 : i32
    return %arg0, %arg1, %c0_i32 : i32, i32, i32
  }
  func.func @transform_3(%arg0: i32, %arg1: i32) -> (i32, i32, i32) {
    %c0_i32 = arith.constant 0 : i32
    %c0_i32_0 = arith.constant 0 : i32
    %c0_i32_1 = arith.constant 0 : i32
    return %arg0, %c0_i32, %c0_i32_0 : i32, i32, i32
  }
  func.func @transform_4(%arg0: i32, %arg1: i32) -> (i32, i32, i32) {
    %c0_i32 = arith.constant 0 : i32
    %c0_i32_0 = arith.constant 0 : i32
    %c0_i32_1 = arith.constant 0 : i32
    return %arg0, %c0_i32, %c0_i32_0 : i32, i32, i32
  }
  func.func @transform_5(%arg0: i32, %arg1: i32) -> (i32, i32, i32) {
    %c0_i32 = arith.constant 0 : i32
    %c0_i32_0 = arith.constant 0 : i32
    %c0_i32_1 = arith.constant 0 : i32
    return %arg0, %c0_i32, %c0_i32_0 : i32, i32, i32
  }
  func.func @transform_6(%arg0: i32, %arg1: i32) -> (i32, i32, i32) {
    %c0_i32 = arith.constant 0 : i32
    %c0_i32_0 = arith.constant 0 : i32
    return %arg0, %arg1, %c0_i32 : i32, i32, i32
  }
}

</mosaic_0001>

<sc_bundles>
// kernel: kernel.12.cloned.1.call-start
scs
__scs_entry_jumppad:
0x0: {  	(pc) =	sbr.rel $0x88, $3  }
0x1: {  	(tag) =	ssettag $0x0;
	lr =	simm.s32 $0x1  }
0x2: {  	[smem:$0x3F9D] =	sst lr;
	_ =	strace $0xD0000000  }
0x3: {  	_ = 	snop  }
0x4: {  	_ = 	snop  }
0x5: {  	_ = 	snop  }
0x6: {  	_ = 	snop  }
0x7: {  	_ = 	snop  }
__scs_overlays_trampoline_lowered:
0x8: {  	[smem:$0x3FAC] =	sst s0  }
0x9: {  	[smem:$0x3FAD] =	sst s1  }
0xa: {  	[smem:$0x3FAE] =	sst s2  }
0xb: {  	[smem:$0x3FAF] =	sst s3  }
0xc: {  	[smem:$0x3FB0] =	sst s4  }
0xd: {  	[smem:$0x3FB1] =	sst s5  }
0xe: {  	[smem:$0x3FB2] =	sst s6  }
0xf: {  	[smem:$0x3FB3] =	sst s7  }
0x10: {  	[smem:$0x3FB4] =	sst s8  }
0x11: {  	[smem:$0x3FB5] =	sst s9;
	s0 =	simm.s32 @!p0 $0x0  }
0x12: {  	s1 =	sld [smem:$0x3F9B];
	s0 =	simm.s32 @p0 $0x1  }
0x13: {  	[smem:$0x3FB6] =	sst s0;
	s0 =	simm.s32 @!p1 $0x0  }
0x14: {  	s2 =	sld [smem:$0x3F9A];
	s0 =	simm.s32 @p1 $0x1  }
0x15: {  	[smem:$0x3FB7] =	sst s0;
	s0 =	simm.s32 @!p2 $0x0  }
0x16: {  	s3 =	sld [smem:$0x3FDB];
	s0 =	simm.s32 @p2 $0x1  }
0x17: {  	s4 =	simm.s32 $0x1BF5;
	[smem:$0x3FB9] =	sst s0  }
0x18: {  	s0 =	sld [smem:$0x3F9C];
	_ =	swait.ge [sflag:s4], $0x0  }
0x19: {  	s7 =	sld [smem:$0x3F9D]  }
0x1a: {  	s8 =	sadd.s32 $0xFFFFE003, lr  }
0x1b: {  	s9 =	sadd.s32 $0xFFFFFEF7, lr;
	s5 =	simm.s32 $0xFFFFFFFF;
	p2 =	slt.u32 s8, $0xFFFFF086  }
0x1c: {  	p1 =	slt.u32 s9, $0xF7A;
	s5 =	simm.s32 @!p2 $0x0  }
0x1d: {  	s5 =	simm.s32 @p1 $0x1;
	p0 =	seq.s32 s7, s2  }
0x1e: {  	s7 =	smul.u32 @!p0 $0xF7A, s2;
	p2 =	seq.s32 @!p0 s5, $0x0  }
0x1f: {  	s9 =	smul.u32 $0xF7A, s1;
	s8 =	simm.s32 @!p0 $0x1BF5;
	p2 =	por !p2, p0  }
0x20: {  	[sflag:s8] =	ssyncset.s32 @!p0 $0xFFFFF086;
	s6 =	sadd.s32 @!p0 s3, s7;
	s7 =	simm.s32 @!p0 $0x108  }
0x21: {  	s3 =	sadd.s32 s3, s9;
	s6 =	sadd.s32 @!p0 $0x88, s6;
	s7 =	simm.s32 @p2 $0x1082  }
0x22: {  	[simem:s7], [sflag:s8] =	dma.local @!p0 [hbm:s6], $0xF7A  }
0x23: {  	s9 =	sor.u32 $0xD0000000, s2;
	s6 =	simm.s32 $0x108;
	_ =	swait.ge @!p0 [sflag:s8], $0x0  }
0x24: {  	s3 =	sadd.s32 $0x88, s3;
	s6 =	simm.s32 @!p1 $0x1082;
	[sflag:s4] =	ssyncset.s32 $0xFFFFF086  }
0x25: {  	[simem:s6], [sflag:s4] =	dma.local [hbm:s3], $0xF7A  }
0x26: {  	[smem:$0x3F9D] =	sst s1;
	(tag) =	ssettag s2;
	_ =	strace s9  }
0x27: {  	s1 =	sld [smem:$0x3FAD]  }
0x28: {  	s2 =	sld [smem:$0x3FAE]  }
0x29: {  	s4 =	sld [smem:$0x3FB0]  }
0x2a: {  	p0 =	seq.s32 s5, $0x0;
	s5 =	sld [smem:$0x3FB1]  }
0x2b: {  	s6 =	sld [smem:$0x3FB2]  }
0x2c: {  	s7 =	sld [smem:$0x3FB3]  }
0x2d: {  	s3 =	simm.s32 $0x108;
	s8 =	sld [smem:$0x3FB4]  }
0x2e: {  	s3 =	simm.s32 @!p0 $0x1082;
	s9 =	sld [smem:$0x3FB5]  }
0x2f: {  	lr =	sadd.s32 s0, s3;
	s0 =	sld [smem:$0x3FAC]  }
0x30: {  	s3 =	sld [smem:$0x3FAF]  }
0x31: {  	[smem:$0x3FB8] =	sst s10  }
0x32: {  	s10 =	sld [smem:$0x3FB6];
	_ =	sdelay $0x3  }
0x33: {  	p0 =	seq.s32 s10, $0x1;
	s10 =	sld [smem:$0x3FB8];
	_ =	sdelay $0x3  }
0x34: {  	[smem:$0x3FB8] =	sst s10  }
0x35: {  	s10 =	sld [smem:$0x3FB7];
	_ =	sdelay $0x3  }
0x36: {  	p1 =	seq.s32 s10, $0x1;
	s10 =	sld [smem:$0x3FB8];
	_ =	sdelay $0x3  }
0x37: {  	[smem:$0x3FB8] =	sst s10  }
0x38: {  	s10 =	sld [smem:$0x3FB9]  }
0x39: {  	_ = 	snop;
	(pc) =	sbr.ind lr, $3  }
0x3a: {  	_ = 	snop  }
0x3b: {  	_ = 	snop  }
0x3c: {  	p2 =	seq.s32 s10, $0x1;
	s10 =	sld [smem:$0x3FB8]  }
0x3d: {  	_ =	shalt  }
0x3e: {  	_ =	shalt  }
0x3f: {  	_ =	shalt  }
0x40: {  	_ =	shalt  }
0x41: {  	_ =	shalt  }
0x42: {  	_ =	shalt  }
0x43: {  	_ =	shalt  }
0x44: {  	_ =	shalt  }
0x45: {  	_ =	shalt  }
0x46: {  	_ =	shalt  }
0x47: {  	_ =	shalt  }
0x48: {  	_ =	shalt  }
0x49: {  	_ =	shalt  }
0x4a: {  	_ =	shalt  }
0x4b: {  	_ =	shalt  }
0x4c: {  	_ =	shalt  }
0x4d: {  	_ =	shalt  }
0x4e: {  	_ =	shalt  }
0x4f: {  	_ =	shalt  }
0x50: {  	_ =	shalt  }
0x51: {  	_ =	shalt  }
0x52: {  	_ =	shalt  }
0x53: {  	_ =	shalt  }
0x54: {  	_ =	shalt  }
0x55: {  	_ =	shalt  }
0x56: {  	_ =	shalt  }
0x57: {  	_ =	shalt  }
0x58: {  	_ =	shalt  }
0x59: {  	_ =	shalt  }
0x5a: {  	_ =	shalt  }
0x5b: {  	_ =	shalt  }
0x5c: {  	_ =	shalt  }
0x5d: {  	_ =	shalt  }
0x5e: {  	_ =	shalt  }
0x5f: {  	_ =	shalt  }
0x60: {  	_ =	shalt  }
0x61: {  	_ =	shalt  }
0x62: {  	_ =	shalt  }
0x63: {  	_ =	shalt  }
0x64: {  	_ =	shalt  }
0x65: {  	_ =	shalt  }
0x66: {  	_ =	shalt  }
0x67: {  	_ =	shalt  }
0x68: {  	_ =	shalt  }
0x69: {  	_ =	shalt  }
0x6a: {  	_ =	shalt  }
0x6b: {  	_ =	shalt  }
0x6c: {  	_ =	shalt  }
0x6d: {  	_ =	shalt  }
0x6e: {  	_ =	shalt  }
0x6f: {  	_ =	shalt  }
0x70: {  	_ =	shalt  }
0x71: {  	_ =	shalt  }
0x72: {  	_ =	shalt  }
0x73: {  	_ =	shalt  }
0x74: {  	_ =	shalt  }
0x75: {  	_ =	shalt  }
0x76: {  	_ =	shalt  }
0x77: {  	_ =	shalt  }
0x78: {  	_ =	shalt  }
0x79: {  	_ =	shalt  }
0x7a: {  	_ =	shalt  }
0x7b: {  	_ =	shalt  }
0x7c: {  	_ =	shalt  }
0x7d: {  	_ =	shalt  }
0x7e: {  	_ =	shalt  }
0x7f: {  	_ =	shalt  }
0x80: {  	_ =	shalt  }
0x81: {  	_ =	shalt  }
0x82: {  	_ =	shalt  }
0x83: {  	_ =	shalt  }
0x84: {  	_ =	shalt  }
0x85: {  	_ =	shalt  }
0x86: {  	_ =	shalt  }
0x87: {  	_ =	shalt  }
.Lfunc_end0:
.L_simem_size_0:
called_computation.2_lowered:
.L_overlay_start_0:
0x88: {  	s2 =	sld [smem:$0x3FD9]  }
0x89: {  	s3 =	sld [smem:$0x3FFE];
	_ =	sdelay $0x1  }
0x8a: {  	s1 =	srdreg.scid  }
0x8b: {  	s0 =	sand.u32 $0x1, s1  }
0x8c: {  	s16 =	sshll.u32 s0, $0xA;
	s2 =	sadd.s32 s3, s2  }
0x8d: {  	s2 =	sadd.s32 s2, s16  }
0x8e: {  	[smem:$0x3FC4] =	sst s2  }
0x8f: {  	_ = 	snop  }
0x90: {  	(tm) =	ssettm $0x1  }
0x91: {  	s17 =	sld [smem:$0x3FFB];
	_ =	sdelay $0x3  }
0x92: {  	_ =	strace s17  }
0x93: {  	s2 =	sld [smem:$0x3FFC];
	_ =	sdelay $0x3  }
0x94: {  	_ =	strace s2  }
0x95: {  	s2 =	sld [smem:$0x3FFD];
	_ =	sdelay $0x3  }
0x96: {  	_ =	strace s2  }
0x97: {  	_ =	strace $0x8FFFFFFF  }
0x98: {  	s18 =	sld [smem:$0x3FDB];
	_ =	sdelay $0x1  }
0x99: {  	s19 =	simm.s32 $_scs_section_size  }
0x9a: {  	s4 =	simm.s32 $_size__tile_overlayer_lowered;
	s5 =	simm.s32 $_tile_overlayer_lowered  }
0x9b: {  	s22 =	simm.s32 $0x1BFF;
	s21 =	sshll.u32 s5, $0x1;
	s2 =	sadd.s32 s19, s18  }
0x9c: {  	s6 =	simm.s32 $0x0;
	s20 =	sshll.u32 s4, $0x1;
	s4 =	sadd.s32 s21, s2  }
0x9d: {  	[timem:s6], [sflag:s22] =	dma.local [hbm:s4], s20  }
0x9e: {  	_ =	swait.ge [sflag:s22], s20  }
0x9f: {  	s3 =	ssub.s32 $0x0, s20;
	[sflag:s22] =	ssyncset.done $0x0  }
0xa0: {  	[sflag:s22] =	ssyncadd.s32 s3;
	_ =	sdelay $0x1  }
0xa1: {  	s23 =	simm.s32 $0x1B8B  }
0xa2: {  	_ =	swait.ge [sflag:s23], $0x1  }
0xa3: {  	[sflag:s23] =	ssyncset.done $0x0  }
0xa4: {  	s25 =	simm.s32 $0x1B8E;
	s24 =	sld [smem:$0x3FFE];
	[sflag:s23] =	ssyncadd.s32 $0xFFFFFFFF  }
0xa5: {  	s26 =	simm.s32 $execute0_lowered;
	[smem:$0x3FD2] =	sst s25  }
0xa6: {  	s4 =	sshll.u32 s26, $0x1;
	_ =	strace $0x80000049;
	[dreg:$0x1] =	wrdreg $0xFFFFFFFF  }
0xa7: {  	s28 =	simm.s32 $_size_execute0_lowered;
	s2 =	sadd.s32 s2, s4;
	[dreg:$0x0] =	wrdreg $0x0  }
0xa8: {  	s4 =	sshll.u32 s28, $0x1;
	[dreg:$0x2] =	wrdreg s2  }
0xa9: {  	[dreg:$0x3] =	wrdreg s4  }
0xaa: {  	[dreg:$0x4] =	wrdreg $0xC0  }
0xab: {  	_ =	task [dreg:s6], $0x5FFFF  }
0xac: {  	[dreg:$0x1] =	wrdreg $0xFFFFFFFF  }
0xad: {  	[dreg:$0x0] =	wrdreg $0x60  }
0xae: {  	[dreg:$0x2] =	wrdreg s24  }
0xaf: {  	[dreg:$0x3] =	wrdreg $0x9  }
0xb0: {  	_ =	task.clear_ibuf [dreg:s6], $0x4FFFF;
	_ =	strace $0x90000049  }
0xb1: {  	s29 =	simm.s32 $0x9;
	_ =	strace $0x8000004B  }
0xb2: {  	_ =	swait.ge [sflag:s29], $0x1  }
0xb3: {  	[sflag:s29] =	ssyncadd.s32 $0xFFFFFFFF  }
0xb4: {  	_ =	strace $0x9000004B  }
0xb5: {  	_ =	sfence  }
0xb6: {  	s30 =	sld [smem:$0x0];
	_ =	sdelay $0x2  }
0xb7: {  	s31 =	sshll.u32 s1, $0xD;
	s1 =	sshrl.u32 s1, $0x2  }
0xb8: {  	s3 =	sand.u32 $0x4000, s31;
	s1 =	sadd.s32 s1, s30  }
0xb9: {  	s0 =	sor.u32 s3, s0;
	s1 =	sshll.u32 s1, $0x11  }
0xba: {  	s0 =	sor.u32 s1, s0  }
0xbb: {  	s0 =	sadd.s32 $0x8F2B, s0  }
0xbc: {  	[sflag:s0] =	ssyncadd.remote.s32 $0x1  }
0xbd: {  	_ =	sfence.sel $0xFFFF  }
0xbe: {  	[dreg:$0x0] =	wrdreg $0xFFFFFFFF;
	(pc) =	sbr.abs _section_cstart, $3  }
0xbf: {  	[dreg:$0x1] =	wrdreg $0xFFFFFFFF  }
0xc0: {  	_ =	task.clear_ibuf [dreg:s6], $0x2FFFF;
	_ =	strace $0x9FFFFFFF  }
0xc1: {  	(tm) =	ssettm $0x7FFFFFFF  }
tec
execute0_lowered:
.L_overlay_start_1:
0x0: {  	(tag) =	ssettag $0x1  }
0x1: {  	s4 =	rddreg [dreg:$0x0]  }
0x2: {  	s0 =	rddreg [dreg:$0x1]  }
0x3: {  	s3 =	srdreg.scid;
	s2 =	simm.s32 $0x0;
	s1 =	stileid.u32  }
0x4: {  	s10 =	simm.s32 $0x1;
	s11 =	simm.s32 $0x0;
	s5 =	sand.u32 $0x1, s3  }
0x5: {  	[smem:$0x7FF] =	sst s2;
	s29 =	sshll.u32 s1, $0xE;
	s3 =	sadd.s32 $0x42C800, s4  }
0x6: {  	s8 =	sshll.u32 s1, $0x12;
	s6 =	sshll.u32 s5, $0xD;
	_ =	strace $0x8000004A  }
0x7: {  	s7 =	ssub.s32 $0x2, s5;
	s8 =	sadd.s32 s8, s4;
	s30 =	sshll.u32 s5, $0x11  }
0x8: {  	s6 =	sor.u32 s6, s29;
	s9 =	sshrl.u32 s7, $0x1;
	s31 =	sadd.s32 s30, s8  }
0x9: {  	s8 =	simm.s32 $0x80;
	s6 =	sshrl.u32 s6, $0x3;
	s7 =	ssub.s32 s7, s9  }
0xa: {  	s9 =	simm.s32 $0x2000;
	s6 =	sadd.s32 s6, s4;
	s5 =	smax.u32 s7, $0x1  }
0xb: {  	s7 =	simm.s32 $0x2;
	s4 =	sadd.s32 $0x4600, s6;
	s6 =	sadd.s32 $0xC600, s31  }
.LBB2_1:
0xc: {  	[tilespmem:s2], [sflag:$0x2] =	stream.linear.gather [hbm4b:s4+s2], $0x2000, $0x38;
	[tilespmem:$0x6000] =	vst v63  }
0xd: {  	_ =	swait.ge [sflag:s7], $0x2000  }
0xe: {  	[sflag:s7] =	ssyncset.done $0x0  }
0xf: {  	s12 =	simm.s32 $0x0;
	[sflag:s7] =	ssyncadd.s32 $0xFFFFE000  }
0x10: {  	[tilespmem:s9], [sflag:$0x1] =	stream.indirect.gather [hbm4b:s3+s8], $0x80, s12, s8, $0xb8;
	[tilespmem:$0x6000] =	vst v63  }
0x11: {  	_ =	swait.ge [sflag:s10], $0x4000  }
0x12: {  	[sflag:s10] =	ssyncset.done $0x0  }
0x13: {  	[sflag:s10] =	ssyncadd.s32 $0xFFFFC000  }
0x14: {  	[hbm4b:s6+s2] =	stream.linear.scatter [tilespmem:s9], [sflag:$0x2], $0x4000, $0x38;
	[tilespmem:$0x6000] =	vst v63  }
0x15: {  	s13 =	simm.s32 $0x200;
	_ =	swait.ge [sflag:s7], $0x4000  }
0x16: {  	s14 =	simm.s32 $0x400;
	s12 =	sadd.s32 $0x800, s6;
	[sflag:s7] =	ssyncset.done $0x0  }
.LBB2_2:
0x17: {  	s15 =	sshra.s32 s13, $0x2  }
0x18: {  	[sflag:s7] =	ssyncadd.s32 $0xFFFFC000;
	s13 =	smov.u32 s14;
	s16 =	sadd.s32 $0x200, s14  }
0x19: {  	[tilespmem:s9], [sflag:$0x1] =	stream.indirect.gather [hbm4b:s3+s8], $0x80, s15, s8, $0xb8;
	[tilespmem:$0x6000] =	vst v63  }
0x1a: {  	p0 =	sne.s32 s14, $0x7E00;
	_ =	swait.ge [sflag:s10], $0x4000  }
.Ltmp0:
0x1b: {  	[sflag:s10] =	ssyncset.done $0x0;
	(pc) =	sbr.rel @p0 .LBB2_2-.Ltmp0, $4  }
0x1c: {  	[sflag:s10] =	ssyncadd.s32 $0xFFFFC000  }
0x1d: {  	[hbm4b:s12+s2] =	stream.linear.scatter [tilespmem:s9], [sflag:$0x2], $0x4000, $0x38;
	[tilespmem:$0x6000] =	vst v63  }
0x1e: {  	_ =	swait.ge [sflag:s7], $0x4000  }
0x1f: {  	s14 =	smov.u32 s16;
	s12 =	sadd.s32 $0x800, s12;
	[sflag:s7] =	ssyncset.done $0x0  }
0x20: {  	s13 =	sshra.s32 s13, $0x2;
	[sflag:s7] =	ssyncadd.s32 $0xFFFFC000  }
0x21: {  	[tilespmem:s9], [sflag:$0x1] =	stream.indirect.gather [hbm4b:s3+s8], $0x80, s13, s8, $0xb8;
	[tilespmem:$0x6000] =	vst v63  }
0x22: {  	s11 =	sadd.s32 $0x1, s11;
	_ =	swait.ge [sflag:s10], $0x4000  }
0x23: {  	p0 =	sne.s32 s11, s5;
	[sflag:s10] =	ssyncset.done $0x0  }
.Ltmp1:
0x24: {  	[sflag:s10] =	ssyncadd.s32 $0xFFFFC000;
	(pc) =	sbr.rel @p0 .LBB2_1-.Ltmp1, $4  }
0x25: {  	[hbm4b:s12+s2] =	stream.linear.scatter [tilespmem:s9], [sflag:$0x2], $0x4000, $0x38;
	[tilespmem:$0x6000] =	vst v63  }
0x26: {  	_ =	swait.ge [sflag:s7], $0x4000  }
0x27: {  	[sflag:s7] =	ssyncset.done $0x0  }
0x28: {  	[sflag:s7] =	ssyncadd.s32 $0xFFFFC000  }
0x29: {  	_ =	sfence.sel $0x180000  }
0x2a: {  	[bflag:$0x0] =	sbarrier.arrive $0xFFFF  }
0x2b: {  	p0 =	sne.s32 s1, $0x0;
	_ =	strace $0x9000004A  }
0x2c: {  	s0 =	sadd.s32 @!p0 $0x100000, s0;
	[bflag:$0x2] =	sbarrier.arrive $0xFFFF  }
0x2d: {  	[sflag:s0] =	ssyncadd.tile.s32 @!p0 $0x1;
	_ =	shalt  }
.Lfunc_end2:
_tile_overlayer_lowered:
.L_overlay_start_2:
0x2e: {  	(tag) =	ssettag $0x2  }
0x2f: {  	s0 =	rddreg [dreg:$0x0];
	s2 =	stileid.u32  }
0x30: {  	s1 =	rddreg [dreg:$0x1];
	p0 =	sne.s32 s2, $0x0  }
0x31: {  	s3 =	rddreg [dreg:$0x2];
	[bflag:$0x3] =	sbarrier.arrive $0xFFFF;
	s2 =	simm.s32 @!p0 $0x1C02  }
0x32: {  	[timem:s3], [sflag:s2] =	dma.local @!p0 [hbm:s0], s1  }
0x33: {  	s0 =	simm.s32 @!p0 $0x2  }
0x34: {  	_ =	swait.ge @!p0 [sflag:s0], s1  }
0x35: {  	s1 =	ssub.s32 @!p0 $0x0, s1;
	[sflag:s0] =	ssyncset.done @!p0 $0x0  }
0x36: {  	[sflag:s0] =	ssyncadd.s32 @!p0 s1  }
0x37: {  	[bflag:$0x3] =	sbarrier.arrive $0xFFFF  }
0x38: {  	_ =	shalt  }

// kernel: kernel.9.cloned.1.call-start
scs
__scs_entry_jumppad:
0x0: {  	(pc) =	sbr.rel $0x88, $3  }
0x1: {  	(tag) =	ssettag $0x0;
	lr =	simm.s32 $0x1  }
0x2: {  	[smem:$0x3F9D] =	sst lr;
	_ =	strace $0xD0000000  }
0x3: {  	_ = 	snop  }
0x4: {  	_ = 	snop  }
0x5: {  	_ = 	snop  }
0x6: {  	_ = 	snop  }
0x7: {  	_ = 	snop  }
__scs_overlays_trampoline_lowered:
0x8: {  	[smem:$0x3FAC] =	sst s0  }
0x9: {  	[smem:$0x3FAD] =	sst s1  }
0xa: {  	[smem:$0x3FAE] =	sst s2  }
0xb: {  	[smem:$0x3FAF] =	sst s3  }
0xc: {  	[smem:$0x3FB0] =	sst s4  }
0xd: {  	[smem:$0x3FB1] =	sst s5  }
0xe: {  	[smem:$0x3FB2] =	sst s6  }
0xf: {  	[smem:$0x3FB3] =	sst s7  }
0x10: {  	[smem:$0x3FB4] =	sst s8  }
0x11: {  	[smem:$0x3FB5] =	sst s9;
	s0 =	simm.s32 @!p0 $0x0  }
0x12: {  	s1 =	sld [smem:$0x3F9B];
	s0 =	simm.s32 @p0 $0x1  }
0x13: {  	[smem:$0x3FB6] =	sst s0;
	s0 =	simm.s32 @!p1 $0x0  }
0x14: {  	s2 =	sld [smem:$0x3F9A];
	s0 =	simm.s32 @p1 $0x1  }
0x15: {  	[smem:$0x3FB7] =	sst s0;
	s0 =	simm.s32 @!p2 $0x0  }
0x16: {  	s3 =	sld [smem:$0x3FDB];
	s0 =	simm.s32 @p2 $0x1  }
0x17: {  	s4 =	simm.s32 $0x1BF5;
	[smem:$0x3FB9] =	sst s0  }
0x18: {  	s0 =	sld [smem:$0x3F9C];
	_ =	swait.ge [sflag:s4], $0x0  }
0x19: {  	s7 =	sld [smem:$0x3F9D]  }
0x1a: {  	s8 =	sadd.s32 $0xFFFFE003, lr  }
0x1b: {  	s9 =	sadd.s32 $0xFFFFFEF7, lr;
	s5 =	simm.s32 $0xFFFFFFFF;
	p2 =	slt.u32 s8, $0xFFFFF086  }
0x1c: {  	p1 =	slt.u32 s9, $0xF7A;
	s5 =	simm.s32 @!p2 $0x0  }
0x1d: {  	s5 =	simm.s32 @p1 $0x1;
	p0 =	seq.s32 s7, s2  }
0x1e: {  	s7 =	smul.u32 @!p0 $0xF7A, s2;
	p2 =	seq.s32 @!p0 s5, $0x0  }
0x1f: {  	s9 =	smul.u32 $0xF7A, s1;
	s8 =	simm.s32 @!p0 $0x1BF5;
	p2 =	por !p2, p0  }
0x20: {  	[sflag:s8] =	ssyncset.s32 @!p0 $0xFFFFF086;
	s6 =	sadd.s32 @!p0 s3, s7;
	s7 =	simm.s32 @!p0 $0x108  }
0x21: {  	s3 =	sadd.s32 s3, s9;
	s6 =	sadd.s32 @!p0 $0x88, s6;
	s7 =	simm.s32 @p2 $0x1082  }
0x22: {  	[simem:s7], [sflag:s8] =	dma.local @!p0 [hbm:s6], $0xF7A  }
0x23: {  	s9 =	sor.u32 $0xD0000000, s2;
	s6 =	simm.s32 $0x108;
	_ =	swait.ge @!p0 [sflag:s8], $0x0  }
0x24: {  	s3 =	sadd.s32 $0x88, s3;
	s6 =	simm.s32 @!p1 $0x1082;
	[sflag:s4] =	ssyncset.s32 $0xFFFFF086  }
0x25: {  	[simem:s6], [sflag:s4] =	dma.local [hbm:s3], $0xF7A  }
0x26: {  	[smem:$0x3F9D] =	sst s1;
	(tag) =	ssettag s2;
	_ =	strace s9  }
0x27: {  	s1 =	sld [smem:$0x3FAD]  }
0x28: {  	s2 =	sld [smem:$0x3FAE]  }
0x29: {  	s4 =	sld [smem:$0x3FB0]  }
0x2a: {  	p0 =	seq.s32 s5, $0x0;
	s5 =	sld [smem:$0x3FB1]  }
0x2b: {  	s6 =	sld [smem:$0x3FB2]  }
0x2c: {  	s7 =	sld [smem:$0x3FB3]  }
0x2d: {  	s3 =	simm.s32 $0x108;
	s8 =	sld [smem:$0x3FB4]  }
0x2e: {  	s3 =	simm.s32 @!p0 $0x1082;
	s9 =	sld [smem:$0x3FB5]  }
0x2f: {  	lr =	sadd.s32 s0, s3;
	s0 =	sld [smem:$0x3FAC]  }
0x30: {  	s3 =	sld [smem:$0x3FAF]  }
0x31: {  	[smem:$0x3FB8] =	sst s10  }
0x32: {  	s10 =	sld [smem:$0x3FB6];
	_ =	sdelay $0x3  }
0x33: {  	p0 =	seq.s32 s10, $0x1;
	s10 =	sld [smem:$0x3FB8];
	_ =	sdelay $0x3  }
0x34: {  	[smem:$0x3FB8] =	sst s10  }
0x35: {  	s10 =	sld [smem:$0x3FB7];
	_ =	sdelay $0x3  }
0x36: {  	p1 =	seq.s32 s10, $0x1;
	s10 =	sld [smem:$0x3FB8];
	_ =	sdelay $0x3  }
0x37: {  	[smem:$0x3FB8] =	sst s10  }
0x38: {  	s10 =	sld [smem:$0x3FB9]  }
0x39: {  	_ = 	snop;
	(pc) =	sbr.ind lr, $3  }
0x3a: {  	_ = 	snop  }
0x3b: {  	_ = 	snop  }
0x3c: {  	p2 =	seq.s32 s10, $0x1;
	s10 =	sld [smem:$0x3FB8]  }
0x3d: {  	_ =	shalt  }
0x3e: {  	_ =	shalt  }
0x3f: {  	_ =	shalt  }
0x40: {  	_ =	shalt  }
0x41: {  	_ =	shalt  }
0x42: {  	_ =	shalt  }
0x43: {  	_ =	shalt  }
0x44: {  	_ =	shalt  }
0x45: {  	_ =	shalt  }
0x46: {  	_ =	shalt  }
0x47: {  	_ =	shalt  }
0x48: {  	_ =	shalt  }
0x49: {  	_ =	shalt  }
0x4a: {  	_ =	shalt  }
0x4b: {  	_ =	shalt  }
0x4c: {  	_ =	shalt  }
0x4d: {  	_ =	shalt  }
0x4e: {  	_ =	shalt  }
0x4f: {  	_ =	shalt  }
0x50: {  	_ =	shalt  }
0x51: {  	_ =	shalt  }
0x52: {  	_ =	shalt  }
0x53: {  	_ =	shalt  }
0x54: {  	_ =	shalt  }
0x55: {  	_ =	shalt  }
0x56: {  	_ =	shalt  }
0x57: {  	_ =	shalt  }
0x58: {  	_ =	shalt  }
0x59: {  	_ =	shalt  }
0x5a: {  	_ =	shalt  }
0x5b: {  	_ =	shalt  }
0x5c: {  	_ =	shalt  }
0x5d: {  	_ =	shalt  }
0x5e: {  	_ =	shalt  }
0x5f: {  	_ =	shalt  }
0x60: {  	_ =	shalt  }
0x61: {  	_ =	shalt  }
0x62: {  	_ =	shalt  }
0x63: {  	_ =	shalt  }
0x64: {  	_ =	shalt  }
0x65: {  	_ =	shalt  }
0x66: {  	_ =	shalt  }
0x67: {  	_ =	shalt  }
0x68: {  	_ =	shalt  }
0x69: {  	_ =	shalt  }
0x6a: {  	_ =	shalt  }
0x6b: {  	_ =	shalt  }
0x6c: {  	_ =	shalt  }
0x6d: {  	_ =	shalt  }
0x6e: {  	_ =	shalt  }
0x6f: {  	_ =	shalt  }
0x70: {  	_ =	shalt  }
0x71: {  	_ =	shalt  }
0x72: {  	_ =	shalt  }
0x73: {  	_ =	shalt  }
0x74: {  	_ =	shalt  }
0x75: {  	_ =	shalt  }
0x76: {  	_ =	shalt  }
0x77: {  	_ =	shalt  }
0x78: {  	_ =	shalt  }
0x79: {  	_ =	shalt  }
0x7a: {  	_ =	shalt  }
0x7b: {  	_ =	shalt  }
0x7c: {  	_ =	shalt  }
0x7d: {  	_ =	shalt  }
0x7e: {  	_ =	shalt  }
0x7f: {  	_ =	shalt  }
0x80: {  	_ =	shalt  }
0x81: {  	_ =	shalt  }
0x82: {  	_ =	shalt  }
0x83: {  	_ =	shalt  }
0x84: {  	_ =	shalt  }
0x85: {  	_ =	shalt  }
0x86: {  	_ =	shalt  }
0x87: {  	_ =	shalt  }
.Lfunc_end0:
.L_simem_size_0:
called_computation.1_lowered:
.L_overlay_start_0:
0x88: {  	s2 =	sld [smem:$0x3FD9]  }
0x89: {  	s3 =	sld [smem:$0x3FFE];
	_ =	sdelay $0x1  }
0x8a: {  	s1 =	srdreg.scid  }
0x8b: {  	s0 =	sand.u32 $0x1, s1  }
0x8c: {  	s17 =	sshll.u32 s0, $0xA;
	s2 =	sadd.s32 s3, s2  }
0x8d: {  	s2 =	sadd.s32 s2, s17  }
0x8e: {  	[smem:$0x3FC4] =	sst s2  }
0x8f: {  	_ = 	snop  }
0x90: {  	s2 =	sld [smem:$0x3FD0];
	(tm) =	ssettm $0x1  }
0x91: {  	s18 =	sld [smem:$0x3FFB];
	_ =	sdelay $0x3  }
0x92: {  	_ =	strace s18  }
0x93: {  	s3 =	sld [smem:$0x3FFC];
	_ =	sdelay $0x3  }
0x94: {  	_ =	strace s3  }
0x95: {  	s3 =	sld [smem:$0x3FFD];
	_ =	sdelay $0x3  }
0x96: {  	_ =	strace s3  }
0x97: {  	_ =	strace $0x8FFFFFFF  }
0x98: {  	s19 =	sld [smem:$0x3FDB];
	_ =	sdelay $0x1  }
0x99: {  	s4 =	simm.s32 $_scs_section_size  }
0x9a: {  	s5 =	simm.s32 $_size__tile_overlayer_lowered;
	s6 =	simm.s32 $_tile_overlayer_lowered  }
0x9b: {  	s22 =	simm.s32 $0x1BFF;
	s21 =	sshll.u32 s6, $0x1;
	s3 =	sadd.s32 s4, s19  }
0x9c: {  	s7 =	simm.s32 $0x0;
	s20 =	sshll.u32 s5, $0x1;
	s5 =	sadd.s32 s21, s3  }
0x9d: {  	[timem:s7], [sflag:s22] =	dma.local [hbm:s5], s20  }
0x9e: {  	_ =	swait.ge [sflag:s22], s20  }
0x9f: {  	s4 =	ssub.s32 $0x0, s20;
	[sflag:s22] =	ssyncset.done $0x0  }
0xa0: {  	[sflag:s22] =	ssyncadd.s32 s4;
	_ =	sdelay $0x1  }
0xa1: {  	s23 =	simm.s32 $0x1B8B  }
0xa2: {  	_ =	swait.ge [sflag:s23], $0x1  }
0xa3: {  	[sflag:s23] =	ssyncset.done $0x0  }
0xa4: {  	s25 =	simm.s32 $0x1B8E;
	s24 =	sld [smem:$0x3FFE];
	[sflag:s23] =	ssyncadd.s32 $0xFFFFFFFF  }
0xa5: {  	s26 =	simm.s32 $execute0_lowered;
	[smem:$0x3FD2] =	sst s25  }
0xa6: {  	s5 =	sshll.u32 s26, $0x1;
	_ =	strace $0x80000046;
	[dreg:$0x1] =	wrdreg $0xFFFFFFFF  }
0xa7: {  	s28 =	simm.s32 $_size_execute0_lowered;
	s3 =	sadd.s32 s3, s5;
	[dreg:$0x0] =	wrdreg $0x0  }
0xa8: {  	s5 =	sshll.u32 s28, $0x1;
	[dreg:$0x2] =	wrdreg s3  }
0xa9: {  	[dreg:$0x3] =	wrdreg s5  }
0xaa: {  	[dreg:$0x4] =	wrdreg $0xC0  }
0xab: {  	_ =	task [dreg:s7], $0x5FFFF  }
0xac: {  	[dreg:$0x1] =	wrdreg $0xFFFFFFFF  }
0xad: {  	[dreg:$0x0] =	wrdreg $0x60  }
0xae: {  	[dreg:$0x2] =	wrdreg s24  }
0xaf: {  	[dreg:$0x3] =	wrdreg s2  }
0xb0: {  	[dreg:$0x4] =	wrdreg $0x9  }
0xb1: {  	_ =	task.clear_ibuf [dreg:s7], $0x5FFFF;
	_ =	strace $0x90000046  }
0xb2: {  	s29 =	simm.s32 $0x9;
	_ =	strace $0x80000048  }
0xb3: {  	_ =	swait.ge [sflag:s29], $0x1  }
0xb4: {  	[sflag:s29] =	ssyncadd.s32 $0xFFFFFFFF  }
0xb5: {  	_ =	strace $0x90000048  }
0xb6: {  	_ =	sfence  }
0xb7: {  	s30 =	sld [smem:$0x0];
	_ =	sdelay $0x2  }
0xb8: {  	s31 =	sshll.u32 s1, $0xD;
	s1 =	sshrl.u32 s1, $0x2  }
0xb9: {  	s3 =	sand.u32 $0x4000, s31;
	s1 =	sadd.s32 s1, s30  }
0xba: {  	s0 =	sor.u32 s3, s0;
	s1 =	sshll.u32 s1, $0x11  }
0xbb: {  	s0 =	sor.u32 s1, s0  }
0xbc: {  	s0 =	sadd.s32 $0x8F2B, s0  }
0xbd: {  	[sflag:s0] =	ssyncadd.remote.s32 $0x1  }
0xbe: {  	_ =	sfence.sel $0xFFFF  }
0xbf: {  	[dreg:$0x0] =	wrdreg $0xFFFFFFFF;
	(pc) =	sbr.abs _section_cstart, $3  }
0xc0: {  	[dreg:$0x1] =	wrdreg $0xFFFFFFFF  }
0xc1: {  	_ =	task.clear_ibuf [dreg:s7], $0x2FFFF;
	_ =	strace $0x9FFFFFFF  }
0xc2: {  	(tm) =	ssettm $0x7FFFFFFF  }
0xc3: {  	_ =	shalt  }
tec
execute0_lowered:
.L_overlay_start_1:
0x0: {  	(tag) =	ssettag $0x1  }
0x1: {  	s8 =	rddreg [dreg:$0x0]  }
0x2: {  	s11 =	rddreg [dreg:$0x1]  }
0x3: {  	s0 =	rddreg [dreg:$0x2];
	s2 =	simm.s32 $0x0  }
0x4: {  	s3 =	srdreg.scid;
	s1 =	stileid.u32;
	s19 =	simm.s32 $0x2000  }
0x5: {  	s20 =	simm.s32 $0x1;
	s21 =	simm.s32 $0x6000;
	s22 =	simm.s32 $0x0  }
0x6: {  	[smem:$0x7FF] =	sst s2;
	s14 =	sand.u32 $0x1, s3;
	s3 =	sadd.s32 $0x804600, s8  }
0x7: {  	s5 =	sshll.u32 s1, $0x1;
	s4 =	sadd.s32 $0xC04600, s8;
	s15 =	sshll.u32 s1, $0x12  }
0x8: {  	_ =	strace $0x80000047;
	s9 =	sor.u32 s14, s5;
	s5 =	sadd.s32 $0x1004600, s8  }
0x9: {  	s16 =	sadd.s32 s15, s8;
	s13 =	ssub.s32 $0x2, s14;
	s29 =	sshll.u32 s14, $0x11  }
0xa: {  	s6 =	sshll.u32 s9, $0xA;
	s7 =	sshll.u32 s9, $0x4;
	s17 =	sshll.u32 s9, $0xB  }
0xb: {  	s28 =	sshrl.u32 s13, $0x1;
	s14 =	sadd.s32 s29, s16;
	s10 =	sadd.s32 s6, s8  }
0xc: {  	s12 =	sadd.s32 s7, s8;
	s6 =	sadd.s32 $0x1404600, s8;
	s7 =	sadd.s32 $0x1804600, s8  }
0xd: {  	s18 =	sadd.s32 s17, s8;
	s13 =	ssub.s32 s13, s28;
	s11 =	sadd.s32 s11, s17  }
0xe: {  	s14 =	sadd.s32 $0x2C800, s14;
	s17 =	simm.s32 $0x2;
	s8 =	sadd.s32 $0xC600, s10  }
0xf: {  	s9 =	sadd.s32 $0x14600, s10;
	s10 =	sadd.s32 $0x1C600, s12;
	s12 =	sadd.s32 $0x1C800, s18  }
0x10: {  	s13 =	smax.u32 s13, $0x1;
	s30 =	sadd.s32 s15, s6;
	s31 =	sadd.s32 s15, s7  }
0x11: {  	s18 =	simm.s32 $0x80;
	s15 =	sadd.s32 s29, s30;
	s16 =	sadd.s32 s29, s31  }
.LBB2_1:
0x12: {  	[tilespmem:s2], [sflag:$0x2] =	stream.linear.gather [hbm4b:s8+s2], $0x2000, $0x38;
	[tilespmem:$0x6080] =	vst v63  }
0x13: {  	_ =	swait.ge [sflag:s17], $0x2000  }
0x14: {  	[sflag:s17] =	ssyncset.done $0x0  }
0x15: {  	s23 =	simm.s32 $0x0;
	[sflag:s17] =	ssyncadd.s32 $0xFFFFE000  }
0x16: {  	[tilespmem:s19], [sflag:$0x1] =	stream.indirect.gather [hbm4b:s3+s18], $0x80, s23, s18, $0xb8;
	[tilespmem:$0x6080] =	vst v63  }
0x17: {  	_ =	swait.ge [sflag:s20], $0x4000  }
0x18: {  	[sflag:s20] =	ssyncset.done $0x0  }
0x19: {  	[sflag:s20] =	ssyncadd.s32 $0xFFFFC000  }
0x1a: {  	[hbm4b:s14+s2] =	stream.linear.scatter [tilespmem:s19], [sflag:$0x2], $0x4000, $0x38;
	[tilespmem:$0x6080] =	vst v63  }
0x1b: {  	s24 =	simm.s32 $0x200;
	_ =	swait.ge [sflag:s17], $0x4000  }
0x1c: {  	s25 =	simm.s32 $0x400;
	s23 =	sadd.s32 $0x800, s14;
	[sflag:s17] =	ssyncset.done $0x0  }
.LBB2_2:
0x1d: {  	s26 =	sshra.s32 s24, $0x2  }
0x1e: {  	[sflag:s17] =	ssyncadd.s32 $0xFFFFC000;
	s24 =	smov.u32 s25;
	s28 =	sadd.s32 $0x200, s25  }
0x1f: {  	[tilespmem:s19], [sflag:$0x1] =	stream.indirect.gather [hbm4b:s3+s18], $0x80, s26, s18, $0xb8;
	[tilespmem:$0x6080] =	vst v63  }
0x20: {  	p0 =	sne.s32 s25, $0x7E00;
	_ =	swait.ge [sflag:s20], $0x4000  }
.Ltmp0:
0x21: {  	[sflag:s20] =	ssyncset.done $0x0;
	(pc) =	sbr.rel @p0 .LBB2_2-.Ltmp0, $4  }
0x22: {  	[sflag:s20] =	ssyncadd.s32 $0xFFFFC000  }
0x23: {  	[hbm4b:s23+s2] =	stream.linear.scatter [tilespmem:s19], [sflag:$0x2], $0x4000, $0x38;
	[tilespmem:$0x6080] =	vst v63  }
0x24: {  	_ =	swait.ge [sflag:s17], $0x4000  }
0x25: {  	s25 =	smov.u32 s28;
	s23 =	sadd.s32 $0x800, s23;
	[sflag:s17] =	ssyncset.done $0x0  }
0x26: {  	s24 =	sshra.s32 s24, $0x2;
	[sflag:s17] =	ssyncadd.s32 $0xFFFFC000  }
0x27: {  	[tilespmem:s19], [sflag:$0x1] =	stream.indirect.gather [hbm4b:s3+s18], $0x80, s24, s18, $0xb8;
	[tilespmem:$0x6080] =	vst v63  }
0x28: {  	_ =	swait.ge [sflag:s20], $0x4000  }
0x29: {  	[sflag:s20] =	ssyncset.done $0x0  }
0x2a: {  	[sflag:s20] =	ssyncadd.s32 $0xFFFFC000  }
0x2b: {  	[hbm4b:s23+s2] =	stream.linear.scatter [tilespmem:s19], [sflag:$0x2], $0x4000, $0x38;
	[tilespmem:$0x6080] =	vst v63  }
0x2c: {  	_ =	swait.ge [sflag:s17], $0x4000  }
0x2d: {  	[sflag:s17] =	ssyncset.done $0x0  }
0x2e: {  	s24 =	simm.s32 $0x0;
	[sflag:s17] =	ssyncadd.s32 $0xFFFFC000  }
0x2f: {  	[tilespmem:s24], [sflag:$0x2] =	stream.linear.gather [hbm4b:s9+s24], $0x2000, $0x38;
	[tilespmem:$0x6080] =	vst v63  }
0x30: {  	_ =	swait.ge [sflag:s17], $0x2000  }
0x31: {  	[sflag:s17] =	ssyncset.done $0x0  }
0x32: {  	s25 =	simm.s32 $0x0;
	[sflag:s17] =	ssyncadd.s32 $0xFFFFE000  }
0x33: {  	[tilespmem:s19], [sflag:$0x1] =	stream.indirect.gather [hbm4b:s4+s18], $0x80, s25, s18, $0xb8;
	[tilespmem:$0x6080] =	vst v63  }
0x34: {  	_ =	swait.ge [sflag:s20], $0x4000  }
0x35: {  	[sflag:s20] =	ssyncset.done $0x0  }
0x36: {  	[sflag:s20] =	ssyncadd.s32 $0xFFFFC000  }
0x37: {  	[hbm4b:s15+s24] =	stream.linear.scatter [tilespmem:s19], [sflag:$0x2], $0x4000, $0x38;
	[tilespmem:$0x6080] =	vst v63  }
0x38: {  	s29 =	simm.s32 $0x400;
	s26 =	sadd.s32 $0x800, s15;
	_ =	swait.ge [sflag:s17], $0x4000  }
0x39: {  	s28 =	simm.s32 $0x200;
	s23 =	simm.s32 $0x200;
	[sflag:s17] =	ssyncset.done $0x0  }
.LBB2_4:
0x3a: {  	s30 =	sshra.s32 s28, $0x2  }
0x3b: {  	[sflag:s17] =	ssyncadd.s32 $0xFFFFC000;
	s28 =	smov.u32 s29;
	s31 =	sadd.s32 $0x200, s29  }
0x3c: {  	[tilespmem:s19], [sflag:$0x1] =	stream.indirect.gather [hbm4b:s4+s18], $0x80, s30, s18, $0xb8;
	[tilespmem:$0x6080] =	vst v63  }
0x3d: {  	p0 =	sne.s32 s29, $0x7E00;
	_ =	swait.ge [sflag:s20], $0x4000  }
.Ltmp1:
0x3e: {  	[sflag:s20] =	ssyncset.done $0x0;
	(pc) =	sbr.rel @p0 .LBB2_4-.Ltmp1, $4  }
0x3f: {  	[sflag:s20] =	ssyncadd.s32 $0xFFFFC000  }
0x40: {  	[hbm4b:s26+s24] =	stream.linear.scatter [tilespmem:s19], [sflag:$0x2], $0x4000, $0x38;
	[tilespmem:$0x6080] =	vst v63  }
0x41: {  	_ =	swait.ge [sflag:s17], $0x4000  }
0x42: {  	s29 =	smov.u32 s31;
	s26 =	sadd.s32 $0x800, s26;
	[sflag:s17] =	ssyncset.done $0x0  }
0x43: {  	s28 =	sshra.s32 s28, $0x2;
	[sflag:s17] =	ssyncadd.s32 $0xFFFFC000  }
0x44: {  	[tilespmem:s19], [sflag:$0x1] =	stream.indirect.gather [hbm4b:s4+s18], $0x80, s28, s18, $0xb8;
	[tilespmem:$0x6080] =	vst v63  }
0x45: {  	_ =	swait.ge [sflag:s20], $0x4000  }
0x46: {  	[sflag:s20] =	ssyncset.done $0x0  }
0x47: {  	[sflag:s20] =	ssyncadd.s32 $0xFFFFC000  }
0x48: {  	[hbm4b:s26+s24] =	stream.linear.scatter [tilespmem:s19], [sflag:$0x2], $0x4000, $0x38;
	[tilespmem:$0x6080] =	vst v63  }
0x49: {  	_ =	swait.ge [sflag:s17], $0x4000  }
0x4a: {  	[sflag:s17] =	ssyncset.done $0x0  }
0x4b: {  	[sflag:s17] =	ssyncadd.s32 $0xFFFFC000  }
0x4c: {  	[tilespmem:s19], [sflag:$0x1] =	stream.indirect.gather [hbm4b:s5+s18], $0x80, s25, s18, $0xb8;
	[tilespmem:$0x6080] =	vst v63  }
0x4d: {  	_ =	swait.ge [sflag:s20], $0x4000  }
0x4e: {  	[sflag:s20] =	ssyncset.done $0x0  }
0x4f: {  	[sflag:s20] =	ssyncadd.s32 $0xFFFFC000  }
0x50: {  	[hbm4b:s16+s2] =	stream.linear.scatter [tilespmem:s19], [sflag:$0x2], $0x4000, $0x38;
	[tilespmem:$0x6080] =	vst v63  }
0x51: {  	_ =	swait.ge [sflag:s17], $0x4000  }
0x52: {  	s24 =	sadd.s32 $0x800, s16;
	s25 =	simm.s32 $0x400;
	[sflag:s17] =	ssyncset.done $0x0  }
.LBB2_6:
0x53: {  	s26 =	sshra.s32 s23, $0x2  }
0x54: {  	[sflag:s17] =	ssyncadd.s32 $0xFFFFC000;
	s23 =	smov.u32 s25;
	s28 =	sadd.s32 $0x200, s25  }
0x55: {  	[tilespmem:s19], [sflag:$0x1] =	stream.indirect.gather [hbm4b:s5+s18], $0x80, s26, s18, $0xb8;
	[tilespmem:$0x6080] =	vst v63  }
0x56: {  	p0 =	sne.s32 s25, $0x7E00;
	_ =	swait.ge [sflag:s20], $0x4000  }
.Ltmp2:
0x57: {  	[sflag:s20] =	ssyncset.done $0x0;
	(pc) =	sbr.rel @p0 .LBB2_6-.Ltmp2, $4  }
0x58: {  	[sflag:s20] =	ssyncadd.s32 $0xFFFFC000  }
0x59: {  	[hbm4b:s24+s2] =	stream.linear.scatter [tilespmem:s19], [sflag:$0x2], $0x4000, $0x38;
	[tilespmem:$0x6080] =	vst v63  }
0x5a: {  	_ =	swait.ge [sflag:s17], $0x4000  }
0x5b: {  	s25 =	smov.u32 s28;
	s24 =	sadd.s32 $0x800, s24;
	[sflag:s17] =	ssyncset.done $0x0  }
0x5c: {  	s23 =	sshra.s32 s23, $0x2;
	[sflag:s17] =	ssyncadd.s32 $0xFFFFC000  }
0x5d: {  	[tilespmem:s19], [sflag:$0x1] =	stream.indirect.gather [hbm4b:s5+s18], $0x80, s23, s18, $0xb8;
	[tilespmem:$0x6080] =	vst v63  }
0x5e: {  	_ =	swait.ge [sflag:s20], $0x4000  }
0x5f: {  	[sflag:s20] =	ssyncset.done $0x0  }
0x60: {  	[sflag:s20] =	ssyncadd.s32 $0xFFFFC000  }
0x61: {  	[hbm4b:s24+s2] =	stream.linear.scatter [tilespmem:s19], [sflag:$0x2], $0x4000, $0x38;
	[tilespmem:$0x6080] =	vst v63  }
0x62: {  	_ =	swait.ge [sflag:s17], $0x4000  }
0x63: {  	[sflag:s17] =	ssyncset.done $0x0  }
0x64: {  	[sflag:s17] =	ssyncadd.s32 $0xFFFFC000  }
0x65: {  	[tilespmem:s21], [sflag:$0x2] =	stream.linear.gather [hbm4b:s10+s2], $0x80, $0x38;
	[tilespmem:$0x6080] =	vst v63  }
0x66: {  	_ =	swait.ge [sflag:s17], $0x80  }
0x67: {  	[sflag:s17] =	ssyncset.done $0x0  }
0x68: {  	[sflag:s17] =	ssyncadd.s32 $0xFFFFFF80  }
0x69: {  	[tilespmem:s19], [sflag:$0x1] =	stream.indirect.gather [hbm4b:s6+s18], $0x80, s21, s18, $0xb8;
	[tilespmem:$0x6080] =	vst v63  }
0x6a: {  	_ =	swait.ge [sflag:s20], $0x4000  }
0x6b: {  	[sflag:s20] =	ssyncset.done $0x0  }
0x6c: {  	[sflag:s20] =	ssyncadd.s32 $0xFFFFC000  }
0x6d: {  	[hbm4b:s11+s2] =	stream.linear.scatter [tilespmem:s19], [sflag:$0x2], $0x4000, $0x38;
	[tilespmem:$0x6080] =	vst v63  }
0x6e: {  	_ =	swait.ge [sflag:s17], $0x4000  }
0x6f: {  	[sflag:s17] =	ssyncset.done $0x0  }
0x70: {  	[sflag:s17] =	ssyncadd.s32 $0xFFFFC000  }
0x71: {  	[tilespmem:s19], [sflag:$0x1] =	stream.indirect.gather [hbm4b:s7+s18], $0x80, s21, s18, $0xb8;
	[tilespmem:$0x6080] =	vst v63  }
0x72: {  	s22 =	sadd.s32 $0x1, s22;
	_ =	swait.ge [sflag:s20], $0x4000  }
0x73: {  	p0 =	sne.s32 s22, s13;
	[sflag:s20] =	ssyncset.done $0x0  }
.Ltmp3:
0x74: {  	[sflag:s20] =	ssyncadd.s32 $0xFFFFC000;
	(pc) =	sbr.rel @p0 .LBB2_1-.Ltmp3, $4  }
0x75: {  	[hbm4b:s12+s2] =	stream.linear.scatter [tilespmem:s19], [sflag:$0x2], $0x4000, $0x38;
	[tilespmem:$0x6080] =	vst v63  }
0x76: {  	_ =	swait.ge [sflag:s17], $0x4000  }
0x77: {  	[sflag:s17] =	ssyncset.done $0x0  }
0x78: {  	[sflag:s17] =	ssyncadd.s32 $0xFFFFC000  }
0x79: {  	_ =	sfence.sel $0x180000  }
0x7a: {  	[bflag:$0x0] =	sbarrier.arrive $0xFFFF  }
0x7b: {  	p0 =	sne.s32 s1, $0x0;
	_ =	strace $0x90000047  }
0x7c: {  	s0 =	sadd.s32 @!p0 $0x100000, s0;
	[bflag:$0x2] =	sbarrier.arrive $0xFFFF  }
0x7d: {  	[sflag:s0] =	ssyncadd.tile.s32 @!p0 $0x1;
	_ =	shalt  }
.Lfunc_end2:
_tile_overlayer_lowered:
.L_overlay_start_2:
0x7e: {  	(tag) =	ssettag $0x2  }
0x7f: {  	s0 =	rddreg [dreg:$0x0];
	s2 =	stileid.u32  }
0x80: {  	s1 =	rddreg [dreg:$0x1];
	p0 =	sne.s32 s2, $0x0  }
0x81: {  	s3 =	rddreg [dreg:$0x2];
	[bflag:$0x3] =	sbarrier.arrive $0xFFFF;
	s2 =	simm.s32 @!p0 $0x1C02  }
0x82: {  	[timem:s3], [sflag:s2] =	dma.local @!p0 [hbm:s0], s1  }
0x83: {  	s0 =	simm.s32 @!p0 $0x2  }
0x84: {  	_ =	swait.ge @!p0 [sflag:s0], s1  }
0x85: {  	s1 =	ssub.s32 @!p0 $0x0, s1;
	[sflag:s0] =	ssyncset.done @!p0 $0x0  }
0x86: {  	[sflag:s0] =	ssyncadd.s32 @!p0 s1  }
0x87: {  	[bflag:$0x3] =	sbarrier.arrive $0xFFFF  }
0x88: {  	_ =	shalt  }

// kernel: sparse-core-data-format-call.cloned.1.call-start
scs
called_computation_lowered:
.L_overlay_start_0:
0x0: {  	s2 =	sld [smem:$0x3FD9]  }
0x1: {  	s3 =	sld [smem:$0x3FFE];
	_ =	sdelay $0x1  }
0x2: {  	s1 =	srdreg.scid  }
0x3: {  	s0 =	sand.u32 $0x1, s1  }
0x4: {  	s18 =	sshll.u32 s0, $0xA;
	s2 =	sadd.s32 s3, s2  }
0x5: {  	s2 =	sadd.s32 s2, s18  }
0x6: {  	[smem:$0x3FC4] =	sst s2  }
0x7: {  	_ = 	snop  }
0x8: {  	s2 =	sld [smem:$0x3FD0];
	(tm) =	ssettm $0x1  }
0x9: {  	s19 =	sld [smem:$0x3FFB];
	_ =	sdelay $0x3  }
0xa: {  	_ =	strace s19  }
0xb: {  	s3 =	sld [smem:$0x3FFC];
	_ =	sdelay $0x3  }
0xc: {  	_ =	strace s3  }
0xd: {  	s3 =	sld [smem:$0x3FFD];
	_ =	sdelay $0x3  }
0xe: {  	_ =	strace s3  }
0xf: {  	_ =	strace $0x8FFFFFFF  }
0x10: {  	s20 =	sld [smem:$0x3FDB];
	_ =	sdelay $0x1  }
0x11: {  	s4 =	simm.s32 $_scs_section_size  }
0x12: {  	s5 =	simm.s32 $_size__tile_overlayer_lowered;
	s6 =	simm.s32 $_tile_overlayer_lowered  }
0x13: {  	s23 =	simm.s32 $0x1BFF;
	s22 =	sshll.u32 s6, $0x1;
	s3 =	sadd.s32 s4, s20  }
0x14: {  	s7 =	simm.s32 $0x0;
	s21 =	sshll.u32 s5, $0x1;
	s5 =	sadd.s32 s22, s3  }
0x15: {  	[timem:s7], [sflag:s23] =	dma.local [hbm:s5], s21  }
0x16: {  	_ =	swait.ge [sflag:s23], s21  }
0x17: {  	s4 =	ssub.s32 $0x0, s21;
	[sflag:s23] =	ssyncset.done $0x0  }
0x18: {  	[sflag:s23] =	ssyncadd.s32 s4;
	_ =	sdelay $0x1  }
0x19: {  	s24 =	simm.s32 $0x1B8B  }
0x1a: {  	_ =	swait.ge [sflag:s24], $0x1  }
0x1b: {  	[sflag:s24] =	ssyncset.done $0x0  }
0x1c: {  	s26 =	simm.s32 $0x1B8E;
	s25 =	sld [smem:$0x3FFE];
	[sflag:s24] =	ssyncadd.s32 $0xFFFFFFFF  }
0x1d: {  	s27 =	simm.s32 $execute0_lowered;
	[smem:$0x3FD2] =	sst s26  }
0x1e: {  	s5 =	sshll.u32 s27, $0x1;
	_ =	strace $0x8000004C;
	[dreg:$0x1] =	wrdreg $0xFFFFFFFF  }
0x1f: {  	s28 =	simm.s32 $_size_execute0_lowered;
	s3 =	sadd.s32 s3, s5;
	[dreg:$0x0] =	wrdreg $0x0  }
0x20: {  	s5 =	sshll.u32 s28, $0x1;
	[dreg:$0x2] =	wrdreg s3  }
0x21: {  	[dreg:$0x3] =	wrdreg s5  }
0x22: {  	[dreg:$0x4] =	wrdreg $0xC0  }
0x23: {  	_ =	task [dreg:s7], $0x5FFFF  }
0x24: {  	[dreg:$0x1] =	wrdreg $0xFFFFFFFF  }
0x25: {  	[dreg:$0x0] =	wrdreg $0x60  }
0x26: {  	[dreg:$0x2] =	wrdreg s25  }
0x27: {  	[dreg:$0x3] =	wrdreg s2  }
0x28: {  	[dreg:$0x4] =	wrdreg $0x9  }
0x29: {  	_ =	task.clear_ibuf [dreg:s7], $0x5FFFF;
	_ =	strace $0x9000004C  }
0x2a: {  	s29 =	simm.s32 $0x9;
	_ =	strace $0x8000004E  }
0x2b: {  	_ =	swait.ge [sflag:s29], $0x1  }
0x2c: {  	[sflag:s29] =	ssyncadd.s32 $0xFFFFFFFF  }
0x2d: {  	_ =	strace $0x9000004E  }
0x2e: {  	_ =	sfence  }
0x2f: {  	s30 =	sld [smem:$0x0];
	_ =	sdelay $0x2  }
0x30: {  	s31 =	sshll.u32 s1, $0xD;
	s1 =	sshrl.u32 s1, $0x2  }
0x31: {  	s3 =	sand.u32 $0x4000, s31;
	s1 =	sadd.s32 s1, s30  }
0x32: {  	s0 =	sor.u32 s3, s0;
	s1 =	sshll.u32 s1, $0x11  }
0x33: {  	s0 =	sor.u32 s1, s0  }
0x34: {  	s0 =	sadd.s32 $0x8F2B, s0  }
0x35: {  	[sflag:s0] =	ssyncadd.remote.s32 $0x1  }
0x36: {  	_ =	sfence.sel $0xFFFF  }
0x37: {  	[dreg:$0x0] =	wrdreg $0xFFFFFFFF;
	(pc) =	sbr.abs _section_cstart, $3  }
0x38: {  	[dreg:$0x1] =	wrdreg $0xFFFFFFFF  }
0x39: {  	_ =	task.clear_ibuf [dreg:s7], $0x2FFFF;
	_ =	strace $0x9FFFFFFF  }
0x3a: {  	(tm) =	ssettm $0x7FFFFFFF  }
0x3b: {  	_ =	shalt  }
tec
execute0_lowered:
.L_overlay_start_1:
0x0: {  	(tag) =	ssettag $0x1  }
0x1: {  	s9 =	rddreg [dreg:$0x0]  }
0x2: {  	s1 =	rddreg [dreg:$0x1];
	s0 =	stileid.u32  }
0x3: {  	s4 =	srdreg.scid;
	s31 =	simm.s32 $0x2;
	s16 =	simm.s32 $0x0  }
0x4: {  	s11 =	simm.s32 $0x10000;
	s17 =	simm.s32 $0x0;
	s18 =	simm.s32 $0x0  }
0x5: {  	s15 =	simm.s32 $0x0;
	s2 =	sand.u32 $0x1, s0;
	s3 =	sand.u32 $0xE, s0  }
0x6: {  	s4 =	sshll.u32 s4, $0x7;
	s5 =	ssub.s32 $0x2, s2;
	s6 =	ssub.s32 $0x10, s3  }
0x7: {  	s4 =	sand.u32 $0x80, s4;
	s13 =	smov.u32 s3;
	s8 =	sand.u32 $0xE, s6  }
0x8: {  	s7 =	sshrl.u32 s5, $0x1;
	p0 =	sne.s32 s8, $0x0;
	s8 =	simm.s32 $0x1  }
0x9: {  	s5 =	sand.u32 $0x1, s5;
	s6 =	sshrl.u32 s6, $0x4;
	s8 =	simm.s32 @!p0 $0x0  }
0xa: {  	s10 =	ssub.s32 $0x2000, s4;
	s5 =	sadd.s32 s5, s7;
	s6 =	sadd.s32 s8, s6  }
0xb: {  	s14 =	smov.u32 s2;
	s28 =	sshrl.u32 s10, $0x7;
	s30 =	smul.u32 s5, s6  }
.Ltmp0:
0xc: {  	s29 =	sshrl.u32 s10, $0x8;
	s7 =	sand.u32 $0x1, s28;
	(pc) =	sbr.rel .LBB1_1-.Ltmp0, $4  }
0xd: {  	s12 =	smov.u32 s4;
	s7 =	sadd.s32 s29, s7;
	s5 =	rddreg [dreg:$0x2]  }
0xe: {  	_ =	strace $0x8000004D;
	s6 =	simm.s32 $0x1;
	s7 =	smul.u32 s7, s30  }
0xf: {  	p0 =	por $0x0, $0x0;
	s8 =	sadd.s32 $0xC600, s9;
	[sflag:s6] =	ssyncpa.u1 $0x0  }
0x10: {  	s9 =	sadd.s32 $0x2C600, s9;
	[sflag:s31] =	ssyncpa.u1 $0x0;
	s10 =	sadd.s32 $0x1, s7  }
.LBB1_7:
0x11: {  	s19 =	sadd.s32 $0x100, s12  }
0x12: {  	s16 =	sadd.s32 $0x10, s13;
	s20 =	smov.u32 s13;
	p2 =	sgt.s32 s19, $0x1FFF  }
0x13: {  	s20 =	smov.u32 @p2 s16  }
0x14: {  	s22 =	smov.u32 s14;
	s16 =	sadd.s32 $0x2, s14;
	p3 =	sgt.s32 s20, $0xF  }
0x15: {  	s22 =	smov.u32 @p3 s16  }
0x16: {  	s19 =	smov.u32 @p2 s4;
	p2 =	sgt.s32 s22, $0x1  }
0x17: {  	p1 =	slt.u32 s15, $0x2;
	s22 =	smov.u32 @p2 s2;
	p2 =	sne.s32 s15, s10  }
.Ltmp1:
0x18: {  	s21 =	simm.s32 @!p1 $0x2;
	(pc) =	sbr.rel @!p2 .LBB1_8-.Ltmp1, $4  }
0x19: {  	s17 =	smov.u32 s13;
	s18 =	smov.u32 s14;
	_ =	swait.ge @!p1 [sflag:s21], $0x4000  }
0x1a: {  	p0 =	por !p0, !p0;
	[sflag:s21] =	ssyncset.done @!p1 $0x0;
	s20 =	smov.u32 @p3 s3  }
0x1b: {  	s16 =	smov.u32 s12;
	[sflag:s21] =	ssyncadd.s32 @!p1 $0xFFFFC000;
	s12 =	smov.u32 s19  }
0x1c: {  	s13 =	smov.u32 s20;
	s15 =	sadd.s32 $0x1, s15;
	s14 =	smov.u32 s22  }
.LBB1_1:
0x1d: {  	p1 =	sge.u32 s15, s7  }
0x1e: {  	s19 =	sxor.u32 @!p1 $0xFFFFFFFF, s15;
	s20 =	sshll.u32 @!p1 s14, $0x15  }
0x1f: {  	s21 =	sshll.u32 @!p1 s13, $0x11;
	s23 =	sshll.u32 @!p1 s12, $0x4;
	s24 =	simm.s32 @!p1 $0x40  }
0x20: {  	s25 =	simm.s32 @!p1 $0x80;
	s19 =	sshll.u32 @!p1 s19, $0xE;
	s22 =	sadd.s32 @!p1 s20, s21  }
0x21: {  	s23 =	sand.u32 @!p1 $0x1FFF0, s23;
	s20 =	sadd.s32 @!p1 s20, s9;
	s22 =	sadd.s32 @!p1 s8, s22  }
0x22: {  	s19 =	sand.u32 @!p1 $0x4000, s19;
	s20 =	sadd.s32 @!p1 s21, s20;
	s22 =	sadd.s32 @!p1 s23, s22  }
0x23: {  	[tilespmem:s19], [sflag:$0x1] =	stream.strided.gather @!p1 [hbm4b:s22+s24], $0x2000, s25, s24, $0x38;
	[tilespmem:$0x10100] =	vst v63  }
0x24: {  	s31 =	sadd.s32 $0xFFFFFFFF, s15;
	s20 =	sadd.s32 @!p1 s23, s20;
	s19 =	sor.u32 @!p1 $0x2000, s19  }
0x25: {  	[tilespmem:s19], [sflag:$0x1] =	stream.strided.gather @!p1 [hbm4b:s20+s24], $0x2000, s25, s24, $0x38;
	[tilespmem:$0x10100] =	vst v63  }
0x26: {  	p1 =	sge.u32 s31, s7  }
.Ltmp2:
0x27: {  	_ = 	snop;
	(pc) =	sbr.rel @p1 .LBB1_7-.Ltmp2, $1  }
0x28: {  	_ =	sdelay $0x3  }
0x29: {  	s19 =	simm.s32 $0x1;
	s21 =	sand.u32 $0x1, s15  }
0x2a: {  	_ =	swait.ge [sflag:s6], $0x4000;
	s19 =	simm.s32 @!p0 $0x0;
	s21 =	smul.u32 $0x10200, s21  }
0x2b: {  	p2 =	por $0x1, $0x1;
	[sflag:s6] =	ssyncset.done $0x0;
	s20 =	smul.u32 $0x10200, s19  }
0x2c: {  	s22 =	sshll.u32 s19, $0x10;
	[sflag:s6] =	ssyncadd.s32 $0xFFFFC000;
	s30 =	sshrl.u32 s21, $0x2  }
0x2d: {  	s31 =	sshrl.u32 s22, $0x2;
	s22 =	simm.s32 $0x0;
	s20 =	sshrl.u32 s20, $0x2  }
0x2e: {  	s19 =	sor.u32 $0x8000, s30;
	s21 =	sadd.s32 $0x20, s31;
	s20 =	sor.u32 $0x8000, s20  }
.LBB1_3:
0x2f: {  	s23 =	sshll.u32 s22, $0xD  }
0x30: {  	s23 =	sand.u32 $0x3FFFE000, s23  }
0x31: {  	s25 =	sadd.s32 s23, s21  }
0x32: {  	s31 =	smul.u32 $0x8100, s22;
	v3 =	vld [tilespmem:s25+$0x10]  }
0x33: {  	v1 =	vld [tilespmem:s25+$0xFFFFFFF0]  }
0x34: {  	s22 =	sshra.s32 s31, $0x2;
	v0 =	vld [tilespmem:s25+$0x0]  }
0x35: {  	s22 =	sadd.s32 s22, s20;
	v2 =	vld [tilespmem:s25+$0xFFFFFFE0]  }
0x36: {  	s23 =	sadd.s32 $0x0, s22  }
0x37: {  	p1 =	por p2, p2;
	s24 =	simm.s32 $0x4;
	s25 =	sadd.s32 $0x40, s25;
	[tilespmem:s23+$0x1830 ss:$0x81] =	vst.msk $0xffff, v3  }
.LBB1_4:
0x38: {  	v3 =	vld [tilespmem:s25+$0x10];
	p2 =	sne.s32 s24, $0x1FC;
	[tilespmem:s23+$0x810 ss:$0x81] =	vst.msk $0xffff, v1;
	s26 =	smov.u32 s24;
	s24 =	sadd.s32 $0x4, s24  }
.Ltmp3:
0x39: {  	v1 =	vld [tilespmem:s25+$0xFFFFFFF0];
	[tilespmem:s23+$0x1020 ss:$0x81] =	vst.msk $0xffff, v0;
	(pc) =	sbr.rel @p2 .LBB1_4-.Ltmp3, $4  }
0x3a: {  	v0 =	vld [tilespmem:s25+$0x0];
	[tilespmem:s23+$0x0 ss:$0x81] =	vst.msk $0xffff, v2  }
0x3b: {  	s23 =	sshra.s32 s26, $0x2;
	v2 =	vld [tilespmem:s25+$0xFFFFFFE0]  }
0x3c: {  	s23 =	sadd.s32 s23, s22  }
0x3d: {  	s25 =	sadd.s32 $0x40, s25;
	[tilespmem:s23+$0x1830 ss:$0x81] =	vst.msk $0xffff, v3  }
.Ltmp4:
0x3e: {  	(pc) =	sbr.rel @p1 .LBB1_3-.Ltmp4, $4  }
0x3f: {  	_ = 	snop  }
0x40: {  	[tilespmem:s23+$0x810 ss:$0x81] =	vst.msk $0xffff, v1  }
0x41: {  	[tilespmem:s23+$0x1020 ss:$0x81] =	vst.msk $0xffff, v0  }
0x42: {  	s22 =	simm.s32 $0x1;
	p2 =	por $0x0, $0x0;
	[tilespmem:s23+$0x0 ss:$0x81] =	vst.msk $0xffff, v2  }
0x43: {  	s20 =	sshll.u32 s16, $0x3;
	s21 =	sand.u32 $0x78, s16  }
0x44: {  	s18 =	sshll.u32 s18, $0x14;
	s17 =	sshll.u32 s17, $0x10;
	s29 =	sand.u32 $0xFC00, s16  }
.Ltmp5:
0x45: {  	s20 =	sand.u32 $0x1C00, s20;
	s18 =	sadd.s32 s1, s18;
	(pc) =	sbr.rel .LBB1_7-.Ltmp5, $4  }
0x46: {  	s30 =	sand.u32 $0x7, s16;
	s20 =	sor.u32 s21, s20;
	s17 =	sadd.s32 s17, s18  }
0x47: {  	s16 =	sshll.u32 s30, $0x12;
	s31 =	sshrl.u32 s20, $0x3;
	s17 =	sadd.s32 s29, s17  }
0x48: {  	s16 =	sor.u32 $0x400, s16;
	s17 =	sadd.s32 s31, s17  }
0x49: {  	[hbm4b:s17+s16] =	stream.strided.scatter [tilespmem:s19], [sflag:$0x2], $0x4000, s11, s16, $0x20;
	[tilespmem:$0x10100] =	vst v63  }
.LBB1_8:
0x4a: {  	_ =	sfence.sel $0x180000  }
0x4b: {  	s1 =	simm.s32 $0x1;
	[bflag:$0x0] =	sbarrier.arrive $0xFFFF  }
0x4c: {  	s31 =	simm.s32 $0x2;
	[sflag:s1] =	ssyncpa.u1 $0x1  }
0x4d: {  	[sflag:s31] =	ssyncpa.u1 $0x1  }
0x4e: {  	p0 =	sne.s32 s0, $0x0;
	_ =	strace $0x9000004D  }
0x4f: {  	s0 =	sadd.s32 @!p0 $0x100000, s5;
	[bflag:$0x2] =	sbarrier.arrive $0xFFFF  }
0x50: {  	[sflag:s0] =	ssyncadd.tile.s32 @!p0 $0x1;
	_ =	shalt  }
.Lfunc_end1:
_tile_overlayer_lowered:
.L_overlay_start_2:
0x51: {  	(tag) =	ssettag $0x2  }
0x52: {  	s0 =	rddreg [dreg:$0x0];
	s2 =	stileid.u32  }
0x53: {  	s1 =	rddreg [dreg:$0x1];
	p0 =	sne.s32 s2, $0x0  }
0x54: {  	s3 =	rddreg [dreg:$0x2];
	[bflag:$0x3] =	sbarrier.arrive $0xFFFF;
	s2 =	simm.s32 @!p0 $0x1C01  }
0x55: {  	[timem:s3], [sflag:s2] =	dma.local @!p0 [hbm:s0], s1  }
0x56: {  	s0 =	simm.s32 @!p0 $0x1  }
0x57: {  	_ =	swait.ge @!p0 [sflag:s0], s1  }
0x58: {  	s1 =	ssub.s32 @!p0 $0x0, s1;
	[sflag:s0] =	ssyncset.done @!p0 $0x0  }
0x59: {  	[sflag:s0] =	ssyncadd.s32 @!p0 s1  }
0x5a: {  	[bflag:$0x3] =	sbarrier.arrive $0xFFFF  }
0x5b: {  	_ =	shalt  }

</sc_bundles>
